<compile_context>
chip_gen: v7x
topology: tpu7x:2x2x1
jax: 0.10.2.dev20260603
libtpu: 0.0.44.dev20260713+nightly
codegen_flags: <defaults>
</compile_context>

<pallas_src>
import functools

import jax
import jax.numpy as jnp
from jax import lax
from jax.experimental import pallas as pl
from jax.experimental.pallas import tpu as pltpu
from jax.experimental.pallas import tpu_sc as plsc

N_NODES = 10000
N_EDGES = 320000
FEAT = 128

NUM_CORES = 2
NUM_SUBCORES = 16
NUM_WORKERS = NUM_CORES * NUM_SUBCORES
CHUNK = 128
CHUNKS_PER_WORKER = 80
E_PAD = NUM_WORKERS * CHUNKS_PER_WORKER * CHUNK
N_PAD = 10240
ROWS_PER_TILE = N_PAD // NUM_SUBCORES


def _sc_aggregate(features, rows2d, cols2d, vals2d, zeros):
  mesh = plsc.VectorSubcoreMesh(core_axis_name="c", subcore_axis_name="s")

  @functools.partial(
      pl.kernel,
      out_type=jax.ShapeDtypeStruct((NUM_CORES, N_PAD, FEAT), jnp.float32),
      mesh=mesh,
      scratch_types=[
          pltpu.VMEM((CHUNKS_PER_WORKER, CHUNK), jnp.int32),
          pltpu.VMEM((CHUNKS_PER_WORKER, CHUNK), jnp.int32),
          pltpu.VMEM((CHUNKS_PER_WORKER, CHUNK), jnp.float32),
          pltpu.VMEM((CHUNK, FEAT), jnp.float32),
          pltpu.VMEM_SHARED((N_PAD, FEAT), jnp.float32),
      ],
  )
  def k(feat_hbm, rows_hbm, cols_hbm, vals_hbm, zeros_hbm, out_hbm,
        cols_v, rows_v, vals_v, buf_v, acc_s):
    c = lax.axis_index("c")
    s = lax.axis_index("s")
    wid = c * NUM_SUBCORES + s
    base = wid * CHUNKS_PER_WORKER

    pltpu.sync_copy(cols_hbm.at[pl.ds(base, CHUNKS_PER_WORKER)], cols_v)
    pltpu.sync_copy(rows_hbm.at[pl.ds(base, CHUNKS_PER_WORKER)], rows_v)
    pltpu.sync_copy(vals_hbm.at[pl.ds(base, CHUNKS_PER_WORKER)], vals_v)
    pltpu.sync_copy(zeros_hbm, acc_s.at[pl.ds(s * ROWS_PER_TILE, ROWS_PER_TILE)])
    plsc.subcore_barrier()

    def chunk_body(j, carry):
      pltpu.sync_copy(feat_hbm.at[cols_v.at[j]], buf_v)

      def grp(g, carry2):
        vv = vals_v[j, pl.ds(g * 16, 16)]
        for e in range(16):
          vb = jnp.take(vv, jnp.full((16,), e, jnp.int32))
          r = g * 16 + e
          for f in range(FEAT // 16):
            buf_v[r, pl.ds(f * 16, 16)] = buf_v[r, pl.ds(f * 16, 16)] * vb
        return carry2

      lax.fori_loop(0, CHUNK // 16, grp, 0)

      pltpu.sync_copy(buf_v, acc_s.at[rows_v.at[j]], add=True)
      return carry

    lax.fori_loop(0, CHUNKS_PER_WORKER, chunk_body, 0)
    plsc.subcore_barrier()

    pltpu.sync_copy(
        acc_s.at[pl.ds(s * ROWS_PER_TILE, ROWS_PER_TILE)],
        out_hbm.at[c].at[pl.ds(s * ROWS_PER_TILE, ROWS_PER_TILE)])

  return k(features, rows2d, cols2d, vals2d, zeros)


def _tc_finish(parts, weight):
  blk = 1024

  def body(p_ref, w_ref, o_ref):
    s = p_ref[0] + p_ref[1]
    o_ref[:] = jnp.maximum(
        jnp.dot(s, w_ref[:], preferred_element_type=jnp.float32), 0.0)

  return pl.pallas_call(
      body,
      grid=(N_PAD // blk,),
      in_specs=[
          pl.BlockSpec((NUM_CORES, blk, FEAT), lambda i: (0, i, 0)),
          pl.BlockSpec((FEAT, FEAT), lambda i: (0, 0)),
      ],
      out_specs=pl.BlockSpec((blk, FEAT), lambda i: (i, 0)),
      out_shape=jax.ShapeDtypeStruct((N_PAD, FEAT), jnp.float32),
  )(parts, weight)


def kernel(features, edge_index, adj_vals, weight):
  rows = edge_index[0].astype(jnp.int32)
  cols = edge_index[1].astype(jnp.int32)
  pad = E_PAD - N_EDGES
  rows2 = jnp.concatenate([rows, jnp.zeros((pad,), jnp.int32)])
  cols2 = jnp.concatenate([cols, jnp.zeros((pad,), jnp.int32)])
  vals2 = jnp.concatenate([adj_vals.astype(jnp.float32),
                           jnp.zeros((pad,), jnp.float32)])
  rows2 = rows2.reshape(E_PAD // CHUNK, CHUNK)
  cols2 = cols2.reshape(E_PAD // CHUNK, CHUNK)
  vals2 = vals2.reshape(E_PAD // CHUNK, CHUNK)
  zeros = jnp.zeros((ROWS_PER_TILE, FEAT), jnp.float32)

  parts = _sc_aggregate(features, rows2, cols2, vals2, zeros)
  return _tc_finish(parts, weight)[:N_NODES]

# --- scband reference (transcript-rebuilt; emitter-appended) ---
"""Pipeline reference for scband-gnnlayer-27625229648304 (READ-ONLY COPY).

The authoritative reference and input builder live on the scoring server;
editing this copy changes nothing except your own understanding.
"""

import jax, jax.numpy as jnp
import numpy as np

N_NODES = 10000
N_EDGES = 320000
IN_FEATURES = 128
OUT_FEATURES = 128

def setup_inputs(seed: int = 0) -> dict:
    key = jax.random.key(seed)
    k1, k2, k3, k4 = jax.random.split(key, 4)
    features = jax.random.normal(k1, (N_NODES, IN_FEATURES), dtype=jnp.float32)
    edge_index = jax.random.randint(k2, (2, N_EDGES), 0, N_NODES, dtype=jnp.int64)
    adj_vals = jax.random.uniform(k3, (N_EDGES,), dtype=jnp.float32)
    # Glorot uniform init for the weight, matching tf.initializers.GlorotUniform
    limit = np.sqrt(6.0 / (IN_FEATURES + OUT_FEATURES))
    weight = jax.random.uniform(k4, (IN_FEATURES, OUT_FEATURES), dtype=jnp.float32, minval=-limit, maxval=limit)
    return {"features": features, "edge_index": edge_index, "adj_vals": adj_vals, "weight": weight}

def reference(features, edge_index, adj_vals, weight):
    # support = features @ W  (K.dot)
    support = jnp.dot(features, weight)
    # sparse adjacency matmul: out[row] = sum over edges (row, col): val * support[col]
    rows = edge_index[0]
    cols = edge_index[1]
    messages = adj_vals[:, None] * jnp.take(support, cols, axis=0)
    output = jax.ops.segment_sum(messages, rows, num_segments=N_NODES)
    # final=False -> ReLU
    output = jax.nn.relu(output)
    return output

if __name__ == "__main__":
    import jax
    _d = setup_inputs()
    print(jax.jit(kernel)(*tuple(_d.values())))

</pallas_src>

<mosaic_0001>
#map = affine_map<(d0, d1) -> (0, 0)>
#map1 = affine_map<(d0, d1) -> (0, 0, 0)>
module attributes {stable_mosaic.version = 14 : i64} {
  func.func @k(%arg0: i32, %arg1: i32, %arg2: memref<10000x128xf32, #tpu.memory_space<hbm>>, %arg3: memref<2560x128xi32, #tpu.memory_space<hbm>>, %arg4: memref<2560x128xi32, #tpu.memory_space<hbm>>, %arg5: memref<2560x128xf32, #tpu.memory_space<hbm>>, %arg6: memref<640x128xf32, #tpu.memory_space<hbm>>, %arg7: memref<2x10240x128xf32, #tpu.memory_space<hbm>>, %arg8: memref<80x128xi32, #tpu.memory_space<vmem>>, %arg9: memref<80x128xi32, #tpu.memory_space<vmem>>, %arg10: memref<80x128xf32, #tpu.memory_space<vmem>>, %arg11: memref<128x128xf32, #tpu.memory_space<vmem>>, %arg12: memref<10240x128xf32, #tpu.memory_space<vmem_shared>>) attributes {dimension_semantics = [#tpu.dimension_semantics<core_parallel>, #tpu.dimension_semantics<subcore_parallel>], iteration_bounds = array<i64: 2, 16>, scalar_prefetch = 0 : i64, scratch_operands = 5 : i64, tpu.core_type = #tpu.core_type<sc_vector_subcore>, window_params = [{transform_indices = #map}, {transform_indices = #map}, {transform_indices = #map}, {transform_indices = #map}, {transform_indices = #map}, {transform_indices = #map1}]} {
    %mul3A = arith.constant 16 : i32
    %mul3A_0 = arith.muli %arg0, %mul3A : i32
    %add3A = arith.addi %mul3A_0, %arg1 : i32
    %mul3A_1 = arith.constant 80 : i32
    %mul3A_2 = arith.muli %add3A, %mul3A_1 : i32
    "tpu.region"() ({
      %run_scoped3A = tpu.sem_alloc : memref<!tpu.dma_semaphore, #tpu.memory_space<semaphore_mem>>
      %dma_start3A = arith.constant 0 : i32
      %dma_start3A_15 = tpu.memref_slice %arg4[%mul3A_2, %dma_start3A] : memref<2560x128xi32, #tpu.memory_space<hbm>> -> memref<80x128xi32, #tpu.memory_space<hbm>>
      %dma_start3A_16 = arith.constant 0 : i32
      %dma_start3A_17 = tpu.memref_slice %arg4[%mul3A_2, %dma_start3A_16] : memref<2560x128xi32, #tpu.memory_space<hbm>> -> memref<80x128xi32, #tpu.memory_space<hbm>>
      tpu.enqueue_dma source(%dma_start3A_17 : memref<80x128xi32, #tpu.memory_space<hbm>>) target(%arg8 : memref<80x128xi32, #tpu.memory_space<vmem>>) target_semaphore(%run_scoped3A : memref<!tpu.dma_semaphore, #tpu.memory_space<semaphore_mem>>)
      %dma_wait3A = arith.constant 0 : i32
      %dma_wait3A_18 = tpu.memref_slice %arg4[%mul3A_2, %dma_wait3A] : memref<2560x128xi32, #tpu.memory_space<hbm>> -> memref<80x128xi32, #tpu.memory_space<hbm>>
      %dma_wait3A_19 = arith.constant 0 : i32
      %dma_wait3A_20 = tpu.memref_slice %arg4[%mul3A_2, %dma_wait3A_19] : memref<2560x128xi32, #tpu.memory_space<hbm>> -> memref<80x128xi32, #tpu.memory_space<hbm>>
      tpu.wait_dma2 semaphore(%run_scoped3A : memref<!tpu.dma_semaphore, #tpu.memory_space<semaphore_mem>>) src(%dma_wait3A_20 : memref<80x128xi32, #tpu.memory_space<hbm>>) dst(%arg8 : memref<80x128xi32, #tpu.memory_space<vmem>>)
      tpu.yield
    }) : () -> ()
    "tpu.region"() ({
      %run_scoped3A = tpu.sem_alloc : memref<!tpu.dma_semaphore, #tpu.memory_space<semaphore_mem>>
      %dma_start3A = arith.constant 0 : i32
      %dma_start3A_15 = tpu.memref_slice %arg3[%mul3A_2, %dma_start3A] : memref<2560x128xi32, #tpu.memory_space<hbm>> -> memref<80x128xi32, #tpu.memory_space<hbm>>
      %dma_start3A_16 = arith.constant 0 : i32
      %dma_start3A_17 = tpu.memref_slice %arg3[%mul3A_2, %dma_start3A_16] : memref<2560x128xi32, #tpu.memory_space<hbm>> -> memref<80x128xi32, #tpu.memory_space<hbm>>
      tpu.enqueue_dma source(%dma_start3A_17 : memref<80x128xi32, #tpu.memory_space<hbm>>) target(%arg9 : memref<80x128xi32, #tpu.memory_space<vmem>>) target_semaphore(%run_scoped3A : memref<!tpu.dma_semaphore, #tpu.memory_space<semaphore_mem>>)
      %dma_wait3A = arith.constant 0 : i32
      %dma_wait3A_18 = tpu.memref_slice %arg3[%mul3A_2, %dma_wait3A] : memref<2560x128xi32, #tpu.memory_space<hbm>> -> memref<80x128xi32, #tpu.memory_space<hbm>>
      %dma_wait3A_19 = arith.constant 0 : i32
      %dma_wait3A_20 = tpu.memref_slice %arg3[%mul3A_2, %dma_wait3A_19] : memref<2560x128xi32, #tpu.memory_space<hbm>> -> memref<80x128xi32, #tpu.memory_space<hbm>>
      tpu.wait_dma2 semaphore(%run_scoped3A : memref<!tpu.dma_semaphore, #tpu.memory_space<semaphore_mem>>) src(%dma_wait3A_20 : memref<80x128xi32, #tpu.memory_space<hbm>>) dst(%arg9 : memref<80x128xi32, #tpu.memory_space<vmem>>)
      tpu.yield
    }) : () -> ()
    "tpu.region"() ({
      %run_scoped3A = tpu.sem_alloc : memref<!tpu.dma_semaphore, #tpu.memory_space<semaphore_mem>>
      %dma_start3A = arith.constant 0 : i32
      %dma_start3A_15 = tpu.memref_slice %arg5[%mul3A_2, %dma_start3A] : memref<2560x128xf32, #tpu.memory_space<hbm>> -> memref<80x128xf32, #tpu.memory_space<hbm>>
      %dma_start3A_16 = arith.constant 0 : i32
      %dma_start3A_17 = tpu.memref_slice %arg5[%mul3A_2, %dma_start3A_16] : memref<2560x128xf32, #tpu.memory_space<hbm>> -> memref<80x128xf32, #tpu.memory_space<hbm>>
      tpu.enqueue_dma source(%dma_start3A_17 : memref<80x128xf32, #tpu.memory_space<hbm>>) target(%arg10 : memref<80x128xf32, #tpu.memory_space<vmem>>) target_semaphore(%run_scoped3A : memref<!tpu.dma_semaphore, #tpu.memory_space<semaphore_mem>>)
      %dma_wait3A = arith.constant 0 : i32
      %dma_wait3A_18 = tpu.memref_slice %arg5[%mul3A_2, %dma_wait3A] : memref<2560x128xf32, #tpu.memory_space<hbm>> -> memref<80x128xf32, #tpu.memory_space<hbm>>
      %dma_wait3A_19 = arith.constant 0 : i32
      %dma_wait3A_20 = tpu.memref_slice %arg5[%mul3A_2, %dma_wait3A_19] : memref<2560x128xf32, #tpu.memory_space<hbm>> -> memref<80x128xf32, #tpu.memory_space<hbm>>
      tpu.wait_dma2 semaphore(%run_scoped3A : memref<!tpu.dma_semaphore, #tpu.memory_space<semaphore_mem>>) src(%dma_wait3A_20 : memref<80x128xf32, #tpu.memory_space<hbm>>) dst(%arg10 : memref<80x128xf32, #tpu.memory_space<vmem>>)
      tpu.yield
    }) : () -> ()
    %mul3A_3 = arith.constant 640 : i32
    %mul3A_4 = arith.muli %arg1, %mul3A_3 : i32
    "tpu.region"() ({
      %run_scoped3A = tpu.sem_alloc : memref<!tpu.dma_semaphore, #tpu.memory_space<semaphore_mem>>
      %dma_start3A = arith.constant 0 : i32
      %dma_start3A_15 = tpu.memref_slice %arg12[%mul3A_4, %dma_start3A] : memref<10240x128xf32, #tpu.memory_space<vmem_shared>> -> memref<640x128xf32, #tpu.memory_space<vmem_shared>>
      tpu.enqueue_dma source(%arg6 : memref<640x128xf32, #tpu.memory_space<hbm>>) target(%dma_start3A_15 : memref<640x128xf32, #tpu.memory_space<vmem_shared>>) target_semaphore(%run_scoped3A : memref<!tpu.dma_semaphore, #tpu.memory_space<semaphore_mem>>)
      %dma_wait3A = arith.constant 0 : i32
      %dma_wait3A_16 = tpu.memref_slice %arg12[%mul3A_4, %dma_wait3A] : memref<10240x128xf32, #tpu.memory_space<vmem_shared>> -> memref<640x128xf32, #tpu.memory_space<vmem_shared>>
      tpu.wait_dma2 semaphore(%run_scoped3A : memref<!tpu.dma_semaphore, #tpu.memory_space<semaphore_mem>>) src(%arg6 : memref<640x128xf32, #tpu.memory_space<hbm>>) dst(%dma_wait3A_16 : memref<640x128xf32, #tpu.memory_space<vmem_shared>>)
      tpu.yield
    }) : () -> ()
    %barrier3A = arith.constant 0 : index
    tpu.barrier barrier_id(%barrier3A)
    %scan3A = arith.constant 0 : i32
    %scan3A_5 = arith.constant 0 : i32
    %scan3A_6 = arith.constant 80 : i32
    %scan3A_7 = arith.addi %scan3A_5, %scan3A_6 : i32
    %scan3A_8 = arith.constant 1 : i32
    scf.for %scan3A_15 = %scan3A_5 to %scan3A_7 step %scan3A_8  : i32 {
      "tpu.region"() ({
        %run_scoped3A = tpu.sem_alloc : memref<!tpu.dma_semaphore, #tpu.memory_space<semaphore_mem>>
        %dma_start3A = arith.constant 0 : i32
        %dma_start3A_22 = tpu.memref_slice %arg8[%scan3A_15, %dma_start3A] : memref<80x128xi32, #tpu.memory_space<vmem>> -> memref<1x128xi32, #tpu.memory_space<vmem>>
        %dma_start3A_23 = tpu.memref_squeeze %dma_start3A_22 : memref<1x128xi32, #tpu.memory_space<vmem>> -> memref<128xi32, #tpu.memory_space<vmem>>
        %dma_start3A_24 = arith.constant 0 : i32
        %dma_start3A_25 = arith.constant 0 : i32
        %dma_start3A_26 = tpu.memref_slice %arg2[%dma_start3A_24, %dma_start3A_25] : memref<10000x128xf32, #tpu.memory_space<hbm>> -> memref<10000x128xf32, #tpu.memory_space<hbm>>
        tpu.enqueue_indirect_dma source(%dma_start3A_26 : memref<10000x128xf32, #tpu.memory_space<hbm>>) target(%arg11 : memref<128x128xf32, #tpu.memory_space<vmem>>) offsets(%dma_start3A_23 : memref<128xi32, #tpu.memory_space<vmem>>) semaphore(%run_scoped3A : memref<!tpu.dma_semaphore, #tpu.memory_space<semaphore_mem>>)
        %dma_wait3A = arith.constant 0 : i32
        %dma_wait3A_27 = tpu.memref_slice %arg8[%scan3A_15, %dma_wait3A] : memref<80x128xi32, #tpu.memory_space<vmem>> -> memref<1x128xi32, #tpu.memory_space<vmem>>
        %dma_wait3A_28 = tpu.memref_squeeze %dma_wait3A_27 : memref<1x128xi32, #tpu.memory_space<vmem>> -> memref<128xi32, #tpu.memory_space<vmem>>
        %dma_wait3A_29 = arith.constant 0 : i32
        %dma_wait3A_30 = arith.constant 0 : i32
        %dma_wait3A_31 = tpu.memref_slice %arg2[%dma_wait3A_29, %dma_wait3A_30] : memref<10000x128xf32, #tpu.memory_space<hbm>> -> memref<10000x128xf32, #tpu.memory_space<hbm>>
        tpu.wait_indirect_dma semaphore(%run_scoped3A : memref<!tpu.dma_semaphore, #tpu.memory_space<semaphore_mem>>) src(%dma_wait3A_31 : memref<10000x128xf32, #tpu.memory_space<hbm>>) dst(%arg11 : memref<128x128xf32, #tpu.memory_space<vmem>>)
        tpu.yield
      }) : () -> ()
      %scan3A_16 = arith.constant 0 : i32
      %scan3A_17 = arith.constant 0 : i32
      %scan3A_18 = arith.constant 8 : i32
      %scan3A_19 = arith.addi %scan3A_17, %scan3A_18 : i32
      %scan3A_20 = arith.constant 1 : i32
      scf.for %scan3A_22 = %scan3A_17 to %scan3A_19 step %scan3A_20  : i32 {
        %mul3A_23 = arith.constant 16 : i32
        %mul3A_24 = arith.muli %scan3A_22, %mul3A_23 : i32
        %get3A = arith.index_cast %scan3A_15 : i32 to index
        %get3A_25 = arith.index_cast %mul3A_24 : i32 to index
        %get3A_26 = tpu.vector_load %arg10[%get3A, %get3A_25] {strides = array<i32>} : memref<80x128xf32, #tpu.memory_space<vmem>>, vector<1x16xf32>,
        %get3A_27 = vector.shape_cast %get3A_26 : vector<1x16xf32> to vector<16xf32>
        %broadcast_in_dim3A = arith.constant 0 : i32
        %broadcast_in_dim3A_28 = vector.broadcast %broadcast_in_dim3A : i32 to vector<16xi32>
        %lt3A = arith.constant 0 : i32
        %lt3A_29 = vector.broadcast %lt3A : i32 to vector<16xi32>
        %lt3A_30 = arith.cmpi slt, %broadcast_in_dim3A_28, %lt3A_29 : vector<16xi32>
        %add3A_31 = arith.constant 16 : i32
        %add3A_32 = vector.broadcast %add3A_31 : i32 to vector<16xi32>
        %add3A_33 = arith.addi %broadcast_in_dim3A_28, %add3A_32 : vector<16xi32>
        %select_n3A = arith.select %lt3A_30, %add3A_33, %broadcast_in_dim3A_28 : vector<16xi1>, vector<16xi32>
        %broadcast_in_dim3A_34 = vector.shape_cast %select_n3A : vector<16xi32> to vector<16x1xi32>
        %gather3A = vector.shape_cast %broadcast_in_dim3A_34 : vector<16x1xi32> to vector<16xi32>
        %gather3A_35 = tpu.dynamic_gather %get3A_27[%gather3A] in [0] : vector<16xf32>, vector<16xi32> -> vector<16xf32>
        %mul3A_36 = arith.constant 16 : i32
        %mul3A_37 = arith.muli %scan3A_22, %mul3A_36 : i32
        %add3A_38 = arith.constant 0 : i32
        %add3A_39 = arith.addi %mul3A_37, %add3A_38 : i32
        %get3A_40 = arith.index_cast %add3A_39 : i32 to index
        %get3A_41 = arith.constant 0 : index
        %get3A_42 = tpu.vector_load %arg11[%get3A_40, %get3A_41] {strides = array<i32>} : memref<128x128xf32, #tpu.memory_space<vmem>>, vector<1x16xf32>,
        %get3A_43 = vector.shape_cast %get3A_42 : vector<1x16xf32> to vector<16xf32>
        %mul3A_44 = arith.mulf %get3A_43, %gather3A_35 : vector<16xf32>
        %swap3A = arith.index_cast %add3A_39 : i32 to index
        %swap3A_45 = arith.constant 0 : index
        %swap3A_46 = tpu.vector_load %arg11[%swap3A, %swap3A_45] {strides = array<i32>} : memref<128x128xf32, #tpu.memory_space<vmem>>, vector<1x16xf32>,
        %swap3A_47 = vector.shape_cast %swap3A_46 : vector<1x16xf32> to vector<16xf32>
        %swap3A_48 = vector.shape_cast %mul3A_44 : vector<16xf32> to vector<1x16xf32>
        tpu.vector_store %arg11[%swap3A, %swap3A_45], %swap3A_48 {strides = array<i32>} : memref<128x128xf32, #tpu.memory_space<vmem>>, vector<1x16xf32>,
        %get3A_49 = arith.index_cast %add3A_39 : i32 to index
        %get3A_50 = arith.constant 16 : index
        %get3A_51 = tpu.vector_load %arg11[%get3A_49, %get3A_50] {strides = array<i32>} : memref<128x128xf32, #tpu.memory_space<vmem>>, vector<1x16xf32>,
        %get3A_52 = vector.shape_cast %get3A_51 : vector<1x16xf32> to vector<16xf32>
        %mul3A_53 = arith.mulf %get3A_52, %gather3A_35 : vector<16xf32>
        %swap3A_54 = arith.index_cast %add3A_39 : i32 to index
        %swap3A_55 = arith.constant 16 : index
        %swap3A_56 = tpu.vector_load %arg11[%swap3A_54, %swap3A_55] {strides = array<i32>} : memref<128x128xf32, #tpu.memory_space<vmem>>, vector<1x16xf32>,
        %swap3A_57 = vector.shape_cast %swap3A_56 : vector<1x16xf32> to vector<16xf32>
        %swap3A_58 = vector.shape_cast %mul3A_53 : vector<16xf32> to vector<1x16xf32>
        tpu.vector_store %arg11[%swap3A_54, %swap3A_55], %swap3A_58 {strides = array<i32>} : memref<128x128xf32, #tpu.memory_space<vmem>>, vector<1x16xf32>,
        %get3A_59 = arith.index_cast %add3A_39 : i32 to index
        %get3A_60 = arith.constant 32 : index
        %get3A_61 = tpu.vector_load %arg11[%get3A_59, %get3A_60] {strides = array<i32>} : memref<128x128xf32, #tpu.memory_space<vmem>>, vector<1x16xf32>,
        %get3A_62 = vector.shape_cast %get3A_61 : vector<1x16xf32> to vector<16xf32>
        %mul3A_63 = arith.mulf %get3A_62, %gather3A_35 : vector<16xf32>
        %swap3A_64 = arith.index_cast %add3A_39 : i32 to index
        %swap3A_65 = arith.constant 32 : index
        %swap3A_66 = tpu.vector_load %arg11[%swap3A_64, %swap3A_65] {strides = array<i32>} : memref<128x128xf32, #tpu.memory_space<vmem>>, vector<1x16xf32>,
        %swap3A_67 = vector.shape_cast %swap3A_66 : vector<1x16xf32> to vector<16xf32>
        %swap3A_68 = vector.shape_cast %mul3A_63 : vector<16xf32> to vector<1x16xf32>
        tpu.vector_store %arg11[%swap3A_64, %swap3A_65], %swap3A_68 {strides = array<i32>} : memref<128x128xf32, #tpu.memory_space<vmem>>, vector<1x16xf32>,
        %get3A_69 = arith.index_cast %add3A_39 : i32 to index
        %get3A_70 = arith.constant 48 : index
        %get3A_71 = tpu.vector_load %arg11[%get3A_69, %get3A_70] {strides = array<i32>} : memref<128x128xf32, #tpu.memory_space<vmem>>, vector<1x16xf32>,
        %get3A_72 = vector.shape_cast %get3A_71 : vector<1x16xf32> to vector<16xf32>
        %mul3A_73 = arith.mulf %get3A_72, %gather3A_35 : vector<16xf32>
        %swap3A_74 = arith.index_cast %add3A_39 : i32 to index
        %swap3A_75 = arith.constant 48 : index
        %swap3A_76 = tpu.vector_load %arg11[%swap3A_74, %swap3A_75] {strides = array<i32>} : memref<128x128xf32, #tpu.memory_space<vmem>>, vector<1x16xf32>,
        %swap3A_77 = vector.shape_cast %swap3A_76 : vector<1x16xf32> to vector<16xf32>
        %swap3A_78 = vector.shape_cast %mul3A_73 : vector<16xf32> to vector<1x16xf32>
        tpu.vector_store %arg11[%swap3A_74, %swap3A_75], %swap3A_78 {strides = array<i32>} : memref<128x128xf32, #tpu.memory_space<vmem>>, vector<1x16xf32>,
        %get3A_79 = arith.index_cast %add3A_39 : i32 to index
        %get3A_80 = arith.constant 64 : index
        %get3A_81 = tpu.vector_load %arg11[%get3A_79, %get3A_80] {strides = array<i32>} : memref<128x128xf32, #tpu.memory_space<vmem>>, vector<1x16xf32>,
        %get3A_82 = vector.shape_cast %get3A_81 : vector<1x16xf32> to vector<16xf32>
        %mul3A_83 = arith.mulf %get3A_82, %gather3A_35 : vector<16xf32>
        %swap3A_84 = arith.index_cast %add3A_39 : i32 to index
        %swap3A_85 = arith.constant 64 : index
        %swap3A_86 = tpu.vector_load %arg11[%swap3A_84, %swap3A_85] {strides = array<i32>} : memref<128x128xf32, #tpu.memory_space<vmem>>, vector<1x16xf32>,
        %swap3A_87 = vector.shape_cast %swap3A_86 : vector<1x16xf32> to vector<16xf32>
        %swap3A_88 = vector.shape_cast %mul3A_83 : vector<16xf32> to vector<1x16xf32>
        tpu.vector_store %arg11[%swap3A_84, %swap3A_85], %swap3A_88 {strides = array<i32>} : memref<128x128xf32, #tpu.memory_space<vmem>>, vector<1x16xf32>,
        %get3A_89 = arith.index_cast %add3A_39 : i32 to index
        %get3A_90 = arith.constant 80 : index
        %get3A_91 = tpu.vector_load %arg11[%get3A_89, %get3A_90] {strides = array<i32>} : memref<128x128xf32, #tpu.memory_space<vmem>>, vector<1x16xf32>,
        %get3A_92 = vector.shape_cast %get3A_91 : vector<1x16xf32> to vector<16xf32>
        %mul3A_93 = arith.mulf %get3A_92, %gather3A_35 : vector<16xf32>
        %swap3A_94 = arith.index_cast %add3A_39 : i32 to index
        %swap3A_95 = arith.constant 80 : index
        %swap3A_96 = tpu.vector_load %arg11[%swap3A_94, %swap3A_95] {strides = array<i32>} : memref<128x128xf32, #tpu.memory_space<vmem>>, vector<1x16xf32>,
        %swap3A_97 = vector.shape_cast %swap3A_96 : vector<1x16xf32> to vector<16xf32>
        %swap3A_98 = vector.shape_cast %mul3A_93 : vector<16xf32> to vector<1x16xf32>
        tpu.vector_store %arg11[%swap3A_94, %swap3A_95], %swap3A_98 {strides = array<i32>} : memref<128x128xf32, #tpu.memory_space<vmem>>, vector<1x16xf32>,
        %get3A_99 = arith.index_cast %add3A_39 : i32 to index
        %get3A_100 = arith.constant 96 : index
        %get3A_101 = tpu.vector_load %arg11[%get3A_99, %get3A_100] {strides = array<i32>} : memref<128x128xf32, #tpu.memory_space<vmem>>, vector<1x16xf32>,
        %get3A_102 = vector.shape_cast %get3A_101 : vector<1x16xf32> to vector<16xf32>
        %mul3A_103 = arith.mulf %get3A_102, %gather3A_35 : vector<16xf32>
        %swap3A_104 = arith.index_cast %add3A_39 : i32 to index
        %swap3A_105 = arith.constant 96 : index
        %swap3A_106 = tpu.vector_load %arg11[%swap3A_104, %swap3A_105] {strides = array<i32>} : memref<128x128xf32, #tpu.memory_space<vmem>>, vector<1x16xf32>,
        %swap3A_107 = vector.shape_cast %swap3A_106 : vector<1x16xf32> to vector<16xf32>
        %swap3A_108 = vector.shape_cast %mul3A_103 : vector<16xf32> to vector<1x16xf32>
        tpu.vector_store %arg11[%swap3A_104, %swap3A_105], %swap3A_108 {strides = array<i32>} : memref<128x128xf32, #tpu.memory_space<vmem>>, vector<1x16xf32>,
        %get3A_109 = arith.index_cast %add3A_39 : i32 to index
        %get3A_110 = arith.constant 112 : index
        %get3A_111 = tpu.vector_load %arg11[%get3A_109, %get3A_110] {strides = array<i32>} : memref<128x128xf32, #tpu.memory_space<vmem>>, vector<1x16xf32>,
        %get3A_112 = vector.shape_cast %get3A_111 : vector<1x16xf32> to vector<16xf32>
        %mul3A_113 = arith.mulf %get3A_112, %gather3A_35 : vector<16xf32>
        %swap3A_114 = arith.index_cast %add3A_39 : i32 to index
        %swap3A_115 = arith.constant 112 : index
        %swap3A_116 = tpu.vector_load %arg11[%swap3A_114, %swap3A_115] {strides = array<i32>} : memref<128x128xf32, #tpu.memory_space<vmem>>, vector<1x16xf32>,
        %swap3A_117 = vector.shape_cast %swap3A_116 : vector<1x16xf32> to vector<16xf32>
        %swap3A_118 = vector.shape_cast %mul3A_113 : vector<16xf32> to vector<1x16xf32>
        tpu.vector_store %arg11[%swap3A_114, %swap3A_115], %swap3A_118 {strides = array<i32>} : memref<128x128xf32, #tpu.memory_space<vmem>>, vector<1x16xf32>,
        %broadcast_in_dim3A_119 = arith.constant 1 : i32
        %broadcast_in_dim3A_120 = vector.broadcast %broadcast_in_dim3A_119 : i32 to vector<16xi32>
        %lt3A_121 = arith.constant 0 : i32
        %lt3A_122 = vector.broadcast %lt3A_121 : i32 to vector<16xi32>
        %lt3A_123 = arith.cmpi slt, %broadcast_in_dim3A_120, %lt3A_122 : vector<16xi32>
        %add3A_124 = arith.constant 16 : i32
        %add3A_125 = vector.broadcast %add3A_124 : i32 to vector<16xi32>
        %add3A_126 = arith.addi %broadcast_in_dim3A_120, %add3A_125 : vector<16xi32>
        %select_n3A_127 = arith.select %lt3A_123, %add3A_126, %broadcast_in_dim3A_120 : vector<16xi1>, vector<16xi32>
        %broadcast_in_dim3A_128 = vector.shape_cast %select_n3A_127 : vector<16xi32> to vector<16x1xi32>
        %gather3A_129 = vector.shape_cast %broadcast_in_dim3A_128 : vector<16x1xi32> to vector<16xi32>
        %gather3A_130 = tpu.dynamic_gather %get3A_27[%gather3A_129] in [0] : vector<16xf32>, vector<16xi32> -> vector<16xf32>
        %mul3A_131 = arith.constant 16 : i32
        %mul3A_132 = arith.muli %scan3A_22, %mul3A_131 : i32
        %add3A_133 = arith.constant 1 : i32
        %add3A_134 = arith.addi %mul3A_132, %add3A_133 : i32
        %get3A_135 = arith.index_cast %add3A_134 : i32 to index
        %get3A_136 = arith.constant 0 : index
        %get3A_137 = tpu.vector_load %arg11[%get3A_135, %get3A_136] {strides = array<i32>} : memref<128x128xf32, #tpu.memory_space<vmem>>, vector<1x16xf32>,
        %get3A_138 = vector.shape_cast %get3A_137 : vector<1x16xf32> to vector<16xf32>
        %mul3A_139 = arith.mulf %get3A_138, %gather3A_130 : vector<16xf32>
        %swap3A_140 = arith.index_cast %add3A_134 : i32 to index
        %swap3A_141 = arith.constant 0 : index
        %swap3A_142 = tpu.vector_load %arg11[%swap3A_140, %swap3A_141] {strides = array<i32>} : memref<128x128xf32, #tpu.memory_space<vmem>>, vector<1x16xf32>,
        %swap3A_143 = vector.shape_cast %swap3A_142 : vector<1x16xf32> to vector<16xf32>
        %swap3A_144 = vector.shape_cast %mul3A_139 : vector<16xf32> to vector<1x16xf32>
        tpu.vector_store %arg11[%swap3A_140, %swap3A_141], %swap3A_144 {strides = array<i32>} : memref<128x128xf32, #tpu.memory_space<vmem>>, vector<1x16xf32>,
        %get3A_145 = arith.index_cast %add3A_134 : i32 to index
        %get3A_146 = arith.constant 16 : index
        %get3A_147 = tpu.vector_load %arg11[%get3A_145, %get3A_146] {strides = array<i32>} : memref<128x128xf32, #tpu.memory_space<vmem>>, vector<1x16xf32>,
        %get3A_148 = vector.shape_cast %get3A_147 : vector<1x16xf32> to vector<16xf32>
        %mul3A_149 = arith.mulf %get3A_148, %gather3A_130 : vector<16xf32>
        %swap3A_150 = arith.index_cast %add3A_134 : i32 to index
        %swap3A_151 = arith.constant 16 : index
        %swap3A_152 = tpu.vector_load %arg11[%swap3A_150, %swap3A_151] {strides = array<i32>} : memref<128x128xf32, #tpu.memory_space<vmem>>, vector<1x16xf32>,
        %swap3A_153 = vector.shape_cast %swap3A_152 : vector<1x16xf32> to vector<16xf32>
        %swap3A_154 = vector.shape_cast %mul3A_149 : vector<16xf32> to vector<1x16xf32>
        tpu.vector_store %arg11[%swap3A_150, %swap3A_151], %swap3A_154 {strides = array<i32>} : memref<128x128xf32, #tpu.memory_space<vmem>>, vector<1x16xf32>,
        %get3A_155 = arith.index_cast %add3A_134 : i32 to index
        %get3A_156 = arith.constant 32 : index
        %get3A_157 = tpu.vector_load %arg11[%get3A_155, %get3A_156] {strides = array<i32>} : memref<128x128xf32, #tpu.memory_space<vmem>>, vector<1x16xf32>,
        %get3A_158 = vector.shape_cast %get3A_157 : vector<1x16xf32> to vector<16xf32>
        %mul3A_159 = arith.mulf %get3A_158, %gather3A_130 : vector<16xf32>
        %swap3A_160 = arith.index_cast %add3A_134 : i32 to index
        %swap3A_161 = arith.constant 32 : index
        %swap3A_162 = tpu.vector_load %arg11[%swap3A_160, %swap3A_161] {strides = array<i32>} : memref<128x128xf32, #tpu.memory_space<vmem>>, vector<1x16xf32>,
        %swap3A_163 = vector.shape_cast %swap3A_162 : vector<1x16xf32> to vector<16xf32>
        %swap3A_164 = vector.shape_cast %mul3A_159 : vector<16xf32> to vector<1x16xf32>
        tpu.vector_store %arg11[%swap3A_160, %swap3A_161], %swap3A_164 {strides = array<i32>} : memref<128x128xf32, #tpu.memory_space<vmem>>, vector<1x16xf32>,
        %get3A_165 = arith.index_cast %add3A_134 : i32 to index
        %get3A_166 = arith.constant 48 : index
        %get3A_167 = tpu.vector_load %arg11[%get3A_165, %get3A_166] {strides = array<i32>} : memref<128x128xf32, #tpu.memory_space<vmem>>, vector<1x16xf32>,
        %get3A_168 = vector.shape_cast %get3A_167 : vector<1x16xf32> to vector<16xf32>
        %mul3A_169 = arith.mulf %get3A_168, %gather3A_130 : vector<16xf32>
        %swap3A_170 = arith.index_cast %add3A_134 : i32 to index
        %swap3A_171 = arith.constant 48 : index
        %swap3A_172 = tpu.vector_load %arg11[%swap3A_170, %swap3A_171] {strides = array<i32>} : memref<128x128xf32, #tpu.memory_space<vmem>>, vector<1x16xf32>,
        %swap3A_173 = vector.shape_cast %swap3A_172 : vector<1x16xf32> to vector<16xf32>
        %swap3A_174 = vector.shape_cast %mul3A_169 : vector<16xf32> to vector<1x16xf32>
        tpu.vector_store %arg11[%swap3A_170, %swap3A_171], %swap3A_174 {strides = array<i32>} : memref<128x128xf32, #tpu.memory_space<vmem>>, vector<1x16xf32>,
        %get3A_175 = arith.index_cast %add3A_134 : i32 to index
        %get3A_176 = arith.constant 64 : index
        %get3A_177 = tpu.vector_load %arg11[%get3A_175, %get3A_176] {strides = array<i32>} : memref<128x128xf32, #tpu.memory_space<vmem>>, vector<1x16xf32>,
        %get3A_178 = vector.shape_cast %get3A_177 : vector<1x16xf32> to vector<16xf32>
        %mul3A_179 = arith.mulf %get3A_178, %gather3A_130 : vector<16xf32>
        %swap3A_180 = arith.index_cast %add3A_134 : i32 to index
        %swap3A_181 = arith.constant 64 : index
        %swap3A_182 = tpu.vector_load %arg11[%swap3A_180, %swap3A_181] {strides = array<i32>} : memref<128x128xf32, #tpu.memory_space<vmem>>, vector<1x16xf32>,
        %swap3A_183 = vector.shape_cast %swap3A_182 : vector<1x16xf32> to vector<16xf32>
        %swap3A_184 = vector.shape_cast %mul3A_179 : vector<16xf32> to vector<1x16xf32>
        tpu.vector_store %arg11[%swap3A_180, %swap3A_181], %swap3A_184 {strides = array<i32>} : memref<128x128xf32, #tpu.memory_space<vmem>>, vector<1x16xf32>,
        %get3A_185 = arith.index_cast %add3A_134 : i32 to index
        %get3A_186 = arith.constant 80 : index
        %get3A_187 = tpu.vector_load %arg11[%get3A_185, %get3A_186] {strides = array<i32>} : memref<128x128xf32, #tpu.memory_space<vmem>>, vector<1x16xf32>,
        %get3A_188 = vector.shape_cast %get3A_187 : vector<1x16xf32> to vector<16xf32>
        %mul3A_189 = arith.mulf %get3A_188, %gather3A_130 : vector<16xf32>
        %swap3A_190 = arith.index_cast %add3A_134 : i32 to index
        %swap3A_191 = arith.constant 80 : index
        %swap3A_192 = tpu.vector_load %arg11[%swap3A_190, %swap3A_191] {strides = array<i32>} : memref<128x128xf32, #tpu.memory_space<vmem>>, vector<1x16xf32>,
        %swap3A_193 = vector.shape_cast %swap3A_192 : vector<1x16xf32> to vector<16xf32>
        %swap3A_194 = vector.shape_cast %mul3A_189 : vector<16xf32> to vector<1x16xf32>
        tpu.vector_store %arg11[%swap3A_190, %swap3A_191], %swap3A_194 {strides = array<i32>} : memref<128x128xf32, #tpu.memory_space<vmem>>, vector<1x16xf32>,
        %get3A_195 = arith.index_cast %add3A_134 : i32 to index
        %get3A_196 = arith.constant 96 : index
        %get3A_197 = tpu.vector_load %arg11[%get3A_195, %get3A_196] {strides = array<i32>} : memref<128x128xf32, #tpu.memory_space<vmem>>, vector<1x16xf32>,
        %get3A_198 = vector.shape_cast %get3A_197 : vector<1x16xf32> to vector<16xf32>
        %mul3A_199 = arith.mulf %get3A_198, %gather3A_130 : vector<16xf32>
        %swap3A_200 = arith.index_cast %add3A_134 : i32 to index
        %swap3A_201 = arith.constant 96 : index
        %swap3A_202 = tpu.vector_load %arg11[%swap3A_200, %swap3A_201] {strides = array<i32>} : memref<128x128xf32, #tpu.memory_space<vmem>>, vector<1x16xf32>,
        %swap3A_203 = vector.shape_cast %swap3A_202 : vector<1x16xf32> to vector<16xf32>
        %swap3A_204 = vector.shape_cast %mul3A_199 : vector<16xf32> to vector<1x16xf32>
        tpu.vector_store %arg11[%swap3A_200, %swap3A_201], %swap3A_204 {strides = array<i32>} : memref<128x128xf32, #tpu.memory_space<vmem>>, vector<1x16xf32>,
        %get3A_205 = arith.index_cast %add3A_134 : i32 to index
        %get3A_206 = arith.constant 112 : index
        %get3A_207 = tpu.vector_load %arg11[%get3A_205, %get3A_206] {strides = array<i32>} : memref<128x128xf32, #tpu.memory_space<vmem>>, vector<1x16xf32>,
        %get3A_208 = vector.shape_cast %get3A_207 : vector<1x16xf32> to vector<16xf32>
        %mul3A_209 = arith.mulf %get3A_208, %gather3A_130 : vector<16xf32>
        %swap3A_210 = arith.index_cast %add3A_134 : i32 to index
        %swap3A_211 = arith.constant 112 : index
        %swap3A_212 = tpu.vector_load %arg11[%swap3A_210, %swap3A_211] {strides = array<i32>} : memref<128x128xf32, #tpu.memory_space<vmem>>, vector<1x16xf32>,
        %swap3A_213 = vector.shape_cast %swap3A_212 : vector<1x16xf32> to vector<16xf32>
        %swap3A_214 = vector.shape_cast %mul3A_209 : vector<16xf32> to vector<1x16xf32>
        tpu.vector_store %arg11[%swap3A_210, %swap3A_211], %swap3A_214 {strides = array<i32>} : memref<128x128xf32, #tpu.memory_space<vmem>>, vector<1x16xf32>,
        %broadcast_in_dim3A_215 = arith.constant 2 : i32
        %broadcast_in_dim3A_216 = vector.broadcast %broadcast_in_dim3A_215 : i32 to vector<16xi32>
        %lt3A_217 = arith.constant 0 : i32
        %lt3A_218 = vector.broadcast %lt3A_217 : i32 to vector<16xi32>
        %lt3A_219 = arith.cmpi slt, %broadcast_in_dim3A_216, %lt3A_218 : vector<16xi32>
        %add3A_220 = arith.constant 16 : i32
        %add3A_221 = vector.broadcast %add3A_220 : i32 to vector<16xi32>
        %add3A_222 = arith.addi %broadcast_in_dim3A_216, %add3A_221 : vector<16xi32>
        %select_n3A_223 = arith.select %lt3A_219, %add3A_222, %broadcast_in_dim3A_216 : vector<16xi1>, vector<16xi32>
        %broadcast_in_dim3A_224 = vector.shape_cast %select_n3A_223 : vector<16xi32> to vector<16x1xi32>
        %gather3A_225 = vector.shape_cast %broadcast_in_dim3A_224 : vector<16x1xi32> to vector<16xi32>
        %gather3A_226 = tpu.dynamic_gather %get3A_27[%gather3A_225] in [0] : vector<16xf32>, vector<16xi32> -> vector<16xf32>
        %mul3A_227 = arith.constant 16 : i32
        %mul3A_228 = arith.muli %scan3A_22, %mul3A_227 : i32
        %add3A_229 = arith.constant 2 : i32
        %add3A_230 = arith.addi %mul3A_228, %add3A_229 : i32
        %get3A_231 = arith.index_cast %add3A_230 : i32 to index
        %get3A_232 = arith.constant 0 : index
        %get3A_233 = tpu.vector_load %arg11[%get3A_231, %get3A_232] {strides = array<i32>} : memref<128x128xf32, #tpu.memory_space<vmem>>, vector<1x16xf32>,
        %get3A_234 = vector.shape_cast %get3A_233 : vector<1x16xf32> to vector<16xf32>
        %mul3A_235 = arith.mulf %get3A_234, %gather3A_226 : vector<16xf32>
        %swap3A_236 = arith.index_cast %add3A_230 : i32 to index
        %swap3A_237 = arith.constant 0 : index
        %swap3A_238 = tpu.vector_load %arg11[%swap3A_236, %swap3A_237] {strides = array<i32>} : memref<128x128xf32, #tpu.memory_space<vmem>>, vector<1x16xf32>,
        %swap3A_239 = vector.shape_cast %swap3A_238 : vector<1x16xf32> to vector<16xf32>
        %swap3A_240 = vector.shape_cast %mul3A_235 : vector<16xf32> to vector<1x16xf32>
        tpu.vector_store %arg11[%swap3A_236, %swap3A_237], %swap3A_240 {strides = array<i32>} : memref<128x128xf32, #tpu.memory_space<vmem>>, vector<1x16xf32>,
        %get3A_241 = arith.index_cast %add3A_230 : i32 to index
        %get3A_242 = arith.constant 16 : index
        %get3A_243 = tpu.vector_load %arg11[%get3A_241, %get3A_242] {strides = array<i32>} : memref<128x128xf32, #tpu.memory_space<vmem>>, vector<1x16xf32>,
        %get3A_244 = vector.shape_cast %get3A_243 : vector<1x16xf32> to vector<16xf32>
        %mul3A_245 = arith.mulf %get3A_244, %gather3A_226 : vector<16xf32>
        %swap3A_246 = arith.index_cast %add3A_230 : i32 to index
        %swap3A_247 = arith.constant 16 : index
        %swap3A_248 = tpu.vector_load %arg11[%swap3A_246, %swap3A_247] {strides = array<i32>} : memref<128x128xf32, #tpu.memory_space<vmem>>, vector<1x16xf32>,
        %swap3A_249 = vector.shape_cast %swap3A_248 : vector<1x16xf32> to vector<16xf32>
        %swap3A_250 = vector.shape_cast %mul3A_245 : vector<16xf32> to vector<1x16xf32>
        tpu.vector_store %arg11[%swap3A_246, %swap3A_247], %swap3A_250 {strides = array<i32>} : memref<128x128xf32, #tpu.memory_space<vmem>>, vector<1x16xf32>,
        %get3A_251 = arith.index_cast %add3A_230 : i32 to index
        %get3A_252 = arith.constant 32 : index
        %get3A_253 = tpu.vector_load %arg11[%get3A_251, %get3A_252] {strides = array<i32>} : memref<128x128xf32, #tpu.memory_space<vmem>>, vector<1x16xf32>,
        %get3A_254 = vector.shape_cast %get3A_253 : vector<1x16xf32> to vector<16xf32>
        %mul3A_255 = arith.mulf %get3A_254, %gather3A_226 : vector<16xf32>
        %swap3A_256 = arith.index_cast %add3A_230 : i32 to index
        %swap3A_257 = arith.constant 32 : index
        %swap3A_258 = tpu.vector_load %arg11[%swap3A_256, %swap3A_257] {strides = array<i32>} : memref<128x128xf32, #tpu.memory_space<vmem>>, vector<1x16xf32>,
        %swap3A_259 = vector.shape_cast %swap3A_258 : vector<1x16xf32> to vector<16xf32>
        %swap3A_260 = vector.shape_cast %mul3A_255 : vector<16xf32> to vector<1x16xf32>
        tpu.vector_store %arg11[%swap3A_256, %swap3A_257], %swap3A_260 {strides = array<i32>} : memref<128x128xf32, #tpu.memory_space<vmem>>, vector<1x16xf32>,
        %get3A_261 = arith.index_cast %add3A_230 : i32 to index
        %get3A_262 = arith.constant 48 : index
        %get3A_263 = tpu.vector_load %arg11[%get3A_261, %get3A_262] {strides = array<i32>} : memref<128x128xf32, #tpu.memory_space<vmem>>, vector<1x16xf32>,
        %get3A_264 = vector.shape_cast %get3A_263 : vector<1x16xf32> to vector<16xf32>
        %mul3A_265 = arith.mulf %get3A_264, %gather3A_226 : vector<16xf32>
        %swap3A_266 = arith.index_cast %add3A_230 : i32 to index
        %swap3A_267 = arith.constant 48 : index
        %swap3A_268 = tpu.vector_load %arg11[%swap3A_266, %swap3A_267] {strides = array<i32>} : memref<128x128xf32, #tpu.memory_space<vmem>>, vector<1x16xf32>,
        %swap3A_269 = vector.shape_cast %swap3A_268 : vector<1x16xf32> to vector<16xf32>
        %swap3A_270 = vector.shape_cast %mul3A_265 : vector<16xf32> to vector<1x16xf32>
        tpu.vector_store %arg11[%swap3A_266, %swap3A_267], %swap3A_270 {strides = array<i32>} : memref<128x128xf32, #tpu.memory_space<vmem>>, vector<1x16xf32>,
        %get3A_271 = arith.index_cast %add3A_230 : i32 to index
        %get3A_272 = arith.constant 64 : index
        %get3A_273 = tpu.vector_load %arg11[%get3A_271, %get3A_272] {strides = array<i32>} : memref<128x128xf32, #tpu.memory_space<vmem>>, vector<1x16xf32>,
        %get3A_274 = vector.shape_cast %get3A_273 : vector<1x16xf32> to vector<16xf32>
        %mul3A_275 = arith.mulf %get3A_274, %gather3A_226 : vector<16xf32>
        %swap3A_276 = arith.index_cast %add3A_230 : i32 to index
        %swap3A_277 = arith.constant 64 : index
        %swap3A_278 = tpu.vector_load %arg11[%swap3A_276, %swap3A_277] {strides = array<i32>} : memref<128x128xf32, #tpu.memory_space<vmem>>, vector<1x16xf32>,
        %swap3A_279 = vector.shape_cast %swap3A_278 : vector<1x16xf32> to vector<16xf32>
        %swap3A_280 = vector.shape_cast %mul3A_275 : vector<16xf32> to vector<1x16xf32>
        tpu.vector_store %arg11[%swap3A_276, %swap3A_277], %swap3A_280 {strides = array<i32>} : memref<128x128xf32, #tpu.memory_space<vmem>>, vector<1x16xf32>,
        %get3A_281 = arith.index_cast %add3A_230 : i32 to index
        %get3A_282 = arith.constant 80 : index
        %get3A_283 = tpu.vector_load %arg11[%get3A_281, %get3A_282] {strides = array<i32>} : memref<128x128xf32, #tpu.memory_space<vmem>>, vector<1x16xf32>,
        %get3A_284 = vector.shape_cast %get3A_283 : vector<1x16xf32> to vector<16xf32>
        %mul3A_285 = arith.mulf %get3A_284, %gather3A_226 : vector<16xf32>
        %swap3A_286 = arith.index_cast %add3A_230 : i32 to index
        %swap3A_287 = arith.constant 80 : index
        %swap3A_288 = tpu.vector_load %arg11[%swap3A_286, %swap3A_287] {strides = array<i32>} : memref<128x128xf32, #tpu.memory_space<vmem>>, vector<1x16xf32>,
        %swap3A_289 = vector.shape_cast %swap3A_288 : vector<1x16xf32> to vector<16xf32>
        %swap3A_290 = vector.shape_cast %mul3A_285 : vector<16xf32> to vector<1x16xf32>
        tpu.vector_store %arg11[%swap3A_286, %swap3A_287], %swap3A_290 {strides = array<i32>} : memref<128x128xf32, #tpu.memory_space<vmem>>, vector<1x16xf32>,
        %get3A_291 = arith.index_cast %add3A_230 : i32 to index
        %get3A_292 = arith.constant 96 : index
        %get3A_293 = tpu.vector_load %arg11[%get3A_291, %get3A_292] {strides = array<i32>} : memref<128x128xf32, #tpu.memory_space<vmem>>, vector<1x16xf32>,
        %get3A_294 = vector.shape_cast %get3A_293 : vector<1x16xf32> to vector<16xf32>
        %mul3A_295 = arith.mulf %get3A_294, %gather3A_226 : vector<16xf32>
        %swap3A_296 = arith.index_cast %add3A_230 : i32 to index
        %swap3A_297 = arith.constant 96 : index
        %swap3A_298 = tpu.vector_load %arg11[%swap3A_296, %swap3A_297] {strides = array<i32>} : memref<128x128xf32, #tpu.memory_space<vmem>>, vector<1x16xf32>,
        %swap3A_299 = vector.shape_cast %swap3A_298 : vector<1x16xf32> to vector<16xf32>
        %swap3A_300 = vector.shape_cast %mul3A_295 : vector<16xf32> to vector<1x16xf32>
        tpu.vector_store %arg11[%swap3A_296, %swap3A_297], %swap3A_300 {strides = array<i32>} : memref<128x128xf32, #tpu.memory_space<vmem>>, vector<1x16xf32>,
        %get3A_301 = arith.index_cast %add3A_230 : i32 to index
        %get3A_302 = arith.constant 112 : index
        %get3A_303 = tpu.vector_load %arg11[%get3A_301, %get3A_302] {strides = array<i32>} : memref<128x128xf32, #tpu.memory_space<vmem>>, vector<1x16xf32>,
        %get3A_304 = vector.shape_cast %get3A_303 : vector<1x16xf32> to vector<16xf32>
        %mul3A_305 = arith.mulf %get3A_304, %gather3A_226 : vector<16xf32>
        %swap3A_306 = arith.index_cast %add3A_230 : i32 to index
        %swap3A_307 = arith.constant 112 : index
        %swap3A_308 = tpu.vector_load %arg11[%swap3A_306, %swap3A_307] {strides = array<i32>} : memref<128x128xf32, #tpu.memory_space<vmem>>, vector<1x16xf32>,
        %swap3A_309 = vector.shape_cast %swap3A_308 : vector<1x16xf32> to vector<16xf32>
        %swap3A_310 = vector.shape_cast %mul3A_305 : vector<16xf32> to vector<1x16xf32>
        tpu.vector_store %arg11[%swap3A_306, %swap3A_307], %swap3A_310 {strides = array<i32>} : memref<128x128xf32, #tpu.memory_space<vmem>>, vector<1x16xf32>,
        %broadcast_in_dim3A_311 = arith.constant 3 : i32
        %broadcast_in_dim3A_312 = vector.broadcast %broadcast_in_dim3A_311 : i32 to vector<16xi32>
        %lt3A_313 = arith.constant 0 : i32
        %lt3A_314 = vector.broadcast %lt3A_313 : i32 to vector<16xi32>
        %lt3A_315 = arith.cmpi slt, %broadcast_in_dim3A_312, %lt3A_314 : vector<16xi32>
        %add3A_316 = arith.constant 16 : i32
        %add3A_317 = vector.broadcast %add3A_316 : i32 to vector<16xi32>
        %add3A_318 = arith.addi %broadcast_in_dim3A_312, %add3A_317 : vector<16xi32>
        %select_n3A_319 = arith.select %lt3A_315, %add3A_318, %broadcast_in_dim3A_312 : vector<16xi1>, vector<16xi32>
        %broadcast_in_dim3A_320 = vector.shape_cast %select_n3A_319 : vector<16xi32> to vector<16x1xi32>
        %gather3A_321 = vector.shape_cast %broadcast_in_dim3A_320 : vector<16x1xi32> to vector<16xi32>
        %gather3A_322 = tpu.dynamic_gather %get3A_27[%gather3A_321] in [0] : vector<16xf32>, vector<16xi32> -> vector<16xf32>
        %mul3A_323 = arith.constant 16 : i32
        %mul3A_324 = arith.muli %scan3A_22, %mul3A_323 : i32
        %add3A_325 = arith.constant 3 : i32
        %add3A_326 = arith.addi %mul3A_324, %add3A_325 : i32
        %get3A_327 = arith.index_cast %add3A_326 : i32 to index
        %get3A_328 = arith.constant 0 : index
        %get3A_329 = tpu.vector_load %arg11[%get3A_327, %get3A_328] {strides = array<i32>} : memref<128x128xf32, #tpu.memory_space<vmem>>, vector<1x16xf32>,
        %get3A_330 = vector.shape_cast %get3A_329 : vector<1x16xf32> to vector<16xf32>
        %mul3A_331 = arith.mulf %get3A_330, %gather3A_322 : vector<16xf32>
        %swap3A_332 = arith.index_cast %add3A_326 : i32 to index
        %swap3A_333 = arith.constant 0 : index
        %swap3A_334 = tpu.vector_load %arg11[%swap3A_332, %swap3A_333] {strides = array<i32>} : memref<128x128xf32, #tpu.memory_space<vmem>>, vector<1x16xf32>,
        %swap3A_335 = vector.shape_cast %swap3A_334 : vector<1x16xf32> to vector<16xf32>
        %swap3A_336 = vector.shape_cast %mul3A_331 : vector<16xf32> to vector<1x16xf32>
        tpu.vector_store %arg11[%swap3A_332, %swap3A_333], %swap3A_336 {strides = array<i32>} : memref<128x128xf32, #tpu.memory_space<vmem>>, vector<1x16xf32>,
        %get3A_337 = arith.index_cast %add3A_326 : i32 to index
        %get3A_338 = arith.constant 16 : index
        %get3A_339 = tpu.vector_load %arg11[%get3A_337, %get3A_338] {strides = array<i32>} : memref<128x128xf32, #tpu.memory_space<vmem>>, vector<1x16xf32>,
        %get3A_340 = vector.shape_cast %get3A_339 : vector<1x16xf32> to vector<16xf32>
        %mul3A_341 = arith.mulf %get3A_340, %gather3A_322 : vector<16xf32>
        %swap3A_342 = arith.index_cast %add3A_326 : i32 to index
        %swap3A_343 = arith.constant 16 : index
        %swap3A_344 = tpu.vector_load %arg11[%swap3A_342, %swap3A_343] {strides = array<i32>} : memref<128x128xf32, #tpu.memory_space<vmem>>, vector<1x16xf32>,
        %swap3A_345 = vector.shape_cast %swap3A_344 : vector<1x16xf32> to vector<16xf32>
        %swap3A_346 = vector.shape_cast %mul3A_341 : vector<16xf32> to vector<1x16xf32>
        tpu.vector_store %arg11[%swap3A_342, %swap3A_343], %swap3A_346 {strides = array<i32>} : memref<128x128xf32, #tpu.memory_space<vmem>>, vector<1x16xf32>,
        %get3A_347 = arith.index_cast %add3A_326 : i32 to index
        %get3A_348 = arith.constant 32 : index
        %get3A_349 = tpu.vector_load %arg11[%get3A_347, %get3A_348] {strides = array<i32>} : memref<128x128xf32, #tpu.memory_space<vmem>>, vector<1x16xf32>,
        %get3A_350 = vector.shape_cast %get3A_349 : vector<1x16xf32> to vector<16xf32>
        %mul3A_351 = arith.mulf %get3A_350, %gather3A_322 : vector<16xf32>
        %swap3A_352 = arith.index_cast %add3A_326 : i32 to index
        %swap3A_353 = arith.constant 32 : index
        %swap3A_354 = tpu.vector_load %arg11[%swap3A_352, %swap3A_353] {strides = array<i32>} : memref<128x128xf32, #tpu.memory_space<vmem>>, vector<1x16xf32>,
        %swap3A_355 = vector.shape_cast %swap3A_354 : vector<1x16xf32> to vector<16xf32>
        %swap3A_356 = vector.shape_cast %mul3A_351 : vector<16xf32> to vector<1x16xf32>
        tpu.vector_store %arg11[%swap3A_352, %swap3A_353], %swap3A_356 {strides = array<i32>} : memref<128x128xf32, #tpu.memory_space<vmem>>, vector<1x16xf32>,
        %get3A_357 = arith.index_cast %add3A_326 : i32 to index
        %get3A_358 = arith.constant 48 : index
        %get3A_359 = tpu.vector_load %arg11[%get3A_357, %get3A_358] {strides = array<i32>} : memref<128x128xf32, #tpu.memory_space<vmem>>, vector<1x16xf32>,
        %get3A_360 = vector.shape_cast %get3A_359 : vector<1x16xf32> to vector<16xf32>
        %mul3A_361 = arith.mulf %get3A_360, %gather3A_322 : vector<16xf32>
        %swap3A_362 = arith.index_cast %add3A_326 : i32 to index
        %swap3A_363 = arith.constant 48 : index
        %swap3A_364 = tpu.vector_load %arg11[%swap3A_362, %swap3A_363] {strides = array<i32>} : memref<128x128xf32, #tpu.memory_space<vmem>>, vector<1x16xf32>,
        %swap3A_365 = vector.shape_cast %swap3A_364 : vector<1x16xf32> to vector<16xf32>
        %swap3A_366 = vector.shape_cast %mul3A_361 : vector<16xf32> to vector<1x16xf32>
        tpu.vector_store %arg11[%swap3A_362, %swap3A_363], %swap3A_366 {strides = array<i32>} : memref<128x128xf32, #tpu.memory_space<vmem>>, vector<1x16xf32>,
        %get3A_367 = arith.index_cast %add3A_326 : i32 to index
        %get3A_368 = arith.constant 64 : index
        %get3A_369 = tpu.vector_load %arg11[%get3A_367, %get3A_368] {strides = array<i32>} : memref<128x128xf32, #tpu.memory_space<vmem>>, vector<1x16xf32>,
        %get3A_370 = vector.shape_cast %get3A_369 : vector<1x16xf32> to vector<16xf32>
        %mul3A_371 = arith.mulf %get3A_370, %gather3A_322 : vector<16xf32>
        %swap3A_372 = arith.index_cast %add3A_326 : i32 to index
        %swap3A_373 = arith.constant 64 : index
        %swap3A_374 = tpu.vector_load %arg11[%swap3A_372, %swap3A_373] {strides = array<i32>} : memref<128x128xf32, #tpu.memory_space<vmem>>, vector<1x16xf32>,
        %swap3A_375 = vector.shape_cast %swap3A_374 : vector<1x16xf32> to vector<16xf32>
        %swap3A_376 = vector.shape_cast %mul3A_371 : vector<16xf32> to vector<1x16xf32>
        tpu.vector_store %arg11[%swap3A_372, %swap3A_373], %swap3A_376 {strides = array<i32>} : memref<128x128xf32, #tpu.memory_space<vmem>>, vector<1x16xf32>,
        %get3A_377 = arith.index_cast %add3A_326 : i32 to index
        %get3A_378 = arith.constant 80 : index
        %get3A_379 = tpu.vector_load %arg11[%get3A_377, %get3A_378] {strides = array<i32>} : memref<128x128xf32, #tpu.memory_space<vmem>>, vector<1x16xf32>,
        %get3A_380 = vector.shape_cast %get3A_379 : vector<1x16xf32> to vector<16xf32>
        %mul3A_381 = arith.mulf %get3A_380, %gather3A_322 : vector<16xf32>
        %swap3A_382 = arith.index_cast %add3A_326 : i32 to index
        %swap3A_383 = arith.constant 80 : index
        %swap3A_384 = tpu.vector_load %arg11[%swap3A_382, %swap3A_383] {strides = array<i32>} : memref<128x128xf32, #tpu.memory_space<vmem>>, vector<1x16xf32>,
        %swap3A_385 = vector.shape_cast %swap3A_384 : vector<1x16xf32> to vector<16xf32>
        %swap3A_386 = vector.shape_cast %mul3A_381 : vector<16xf32> to vector<1x16xf32>
        tpu.vector_store %arg11[%swap3A_382, %swap3A_383], %swap3A_386 {strides = array<i32>} : memref<128x128xf32, #tpu.memory_space<vmem>>, vector<1x16xf32>,
        %get3A_387 = arith.index_cast %add3A_326 : i32 to index
        %get3A_388 = arith.constant 96 : index
        %get3A_389 = tpu.vector_load %arg11[%get3A_387, %get3A_388] {strides = array<i32>} : memref<128x128xf32, #tpu.memory_space<vmem>>, vector<1x16xf32>,
        %get3A_390 = vector.shape_cast %get3A_389 : vector<1x16xf32> to vector<16xf32>
        %mul3A_391 = arith.mulf %get3A_390, %gather3A_322 : vector<16xf32>
        %swap3A_392 = arith.index_cast %add3A_326 : i32 to index
        %swap3A_393 = arith.constant 96 : index
        %swap3A_394 = tpu.vector_load %arg11[%swap3A_392, %swap3A_393] {strides = array<i32>} : memref<128x128xf32, #tpu.memory_space<vmem>>, vector<1x16xf32>,
        %swap3A_395 = vector.shape_cast %swap3A_394 : vector<1x16xf32> to vector<16xf32>
        %swap3A_396 = vector.shape_cast %mul3A_391 : vector<16xf32> to vector<1x16xf32>
        tpu.vector_store %arg11[%swap3A_392, %swap3A_393], %swap3A_396 {strides = array<i32>} : memref<128x128xf32, #tpu.memory_space<vmem>>, vector<1x16xf32>,
        %get3A_397 = arith.index_cast %add3A_326 : i32 to index
        %get3A_398 = arith.constant 112 : index
        %get3A_399 = tpu.vector_load %arg11[%get3A_397, %get3A_398] {strides = array<i32>} : memref<128x128xf32, #tpu.memory_space<vmem>>, vector<1x16xf32>,
        %get3A_400 = vector.shape_cast %get3A_399 : vector<1x16xf32> to vector<16xf32>
        %mul3A_401 = arith.mulf %get3A_400, %gather3A_322 : vector<16xf32>
        %swap3A_402 = arith.index_cast %add3A_326 : i32 to index
        %swap3A_403 = arith.constant 112 : index
        %swap3A_404 = tpu.vector_load %arg11[%swap3A_402, %swap3A_403] {strides = array<i32>} : memref<128x128xf32, #tpu.memory_space<vmem>>, vector<1x16xf32>,
        %swap3A_405 = vector.shape_cast %swap3A_404 : vector<1x16xf32> to vector<16xf32>
        %swap3A_406 = vector.shape_cast %mul3A_401 : vector<16xf32> to vector<1x16xf32>
        tpu.vector_store %arg11[%swap3A_402, %swap3A_403], %swap3A_406 {strides = array<i32>} : memref<128x128xf32, #tpu.memory_space<vmem>>, vector<1x16xf32>,
        %broadcast_in_dim3A_407 = arith.constant 4 : i32
        %broadcast_in_dim3A_408 = vector.broadcast %broadcast_in_dim3A_407 : i32 to vector<16xi32>
        %lt3A_409 = arith.constant 0 : i32
        %lt3A_410 = vector.broadcast %lt3A_409 : i32 to vector<16xi32>
        %lt3A_411 = arith.cmpi slt, %broadcast_in_dim3A_408, %lt3A_410 : vector<16xi32>
        %add3A_412 = arith.constant 16 : i32
        %add3A_413 = vector.broadcast %add3A_412 : i32 to vector<16xi32>
        %add3A_414 = arith.addi %broadcast_in_dim3A_408, %add3A_413 : vector<16xi32>
        %select_n3A_415 = arith.select %lt3A_411, %add3A_414, %broadcast_in_dim3A_408 : vector<16xi1>, vector<16xi32>
        %broadcast_in_dim3A_416 = vector.shape_cast %select_n3A_415 : vector<16xi32> to vector<16x1xi32>
        %gather3A_417 = vector.shape_cast %broadcast_in_dim3A_416 : vector<16x1xi32> to vector<16xi32>
        %gather3A_418 = tpu.dynamic_gather %get3A_27[%gather3A_417] in [0] : vector<16xf32>, vector<16xi32> -> vector<16xf32>
        %mul3A_419 = arith.constant 16 : i32
        %mul3A_420 = arith.muli %scan3A_22, %mul3A_419 : i32
        %add3A_421 = arith.constant 4 : i32
        %add3A_422 = arith.addi %mul3A_420, %add3A_421 : i32
        %get3A_423 = arith.index_cast %add3A_422 : i32 to index
        %get3A_424 = arith.constant 0 : index
        %get3A_425 = tpu.vector_load %arg11[%get3A_423, %get3A_424] {strides = array<i32>} : memref<128x128xf32, #tpu.memory_space<vmem>>, vector<1x16xf32>,
        %get3A_426 = vector.shape_cast %get3A_425 : vector<1x16xf32> to vector<16xf32>
        %mul3A_427 = arith.mulf %get3A_426, %gather3A_418 : vector<16xf32>
        %swap3A_428 = arith.index_cast %add3A_422 : i32 to index
        %swap3A_429 = arith.constant 0 : index
        %swap3A_430 = tpu.vector_load %arg11[%swap3A_428, %swap3A_429] {strides = array<i32>} : memref<128x128xf32, #tpu.memory_space<vmem>>, vector<1x16xf32>,
        %swap3A_431 = vector.shape_cast %swap3A_430 : vector<1x16xf32> to vector<16xf32>
        %swap3A_432 = vector.shape_cast %mul3A_427 : vector<16xf32> to vector<1x16xf32>
        tpu.vector_store %arg11[%swap3A_428, %swap3A_429], %swap3A_432 {strides = array<i32>} : memref<128x128xf32, #tpu.memory_space<vmem>>, vector<1x16xf32>,
        %get3A_433 = arith.index_cast %add3A_422 : i32 to index
        %get3A_434 = arith.constant 16 : index
        %get3A_435 = tpu.vector_load %arg11[%get3A_433, %get3A_434] {strides = array<i32>} : memref<128x128xf32, #tpu.memory_space<vmem>>, vector<1x16xf32>,
        %get3A_436 = vector.shape_cast %get3A_435 : vector<1x16xf32> to vector<16xf32>
        %mul3A_437 = arith.mulf %get3A_436, %gather3A_418 : vector<16xf32>
        %swap3A_438 = arith.index_cast %add3A_422 : i32 to index
        %swap3A_439 = arith.constant 16 : index
        %swap3A_440 = tpu.vector_load %arg11[%swap3A_438, %swap3A_439] {strides = array<i32>} : memref<128x128xf32, #tpu.memory_space<vmem>>, vector<1x16xf32>,
        %swap3A_441 = vector.shape_cast %swap3A_440 : vector<1x16xf32> to vector<16xf32>
        %swap3A_442 = vector.shape_cast %mul3A_437 : vector<16xf32> to vector<1x16xf32>
        tpu.vector_store %arg11[%swap3A_438, %swap3A_439], %swap3A_442 {strides = array<i32>} : memref<128x128xf32, #tpu.memory_space<vmem>>, vector<1x16xf32>,
        %get3A_443 = arith.index_cast %add3A_422 : i32 to index
        %get3A_444 = arith.constant 32 : index
        %get3A_445 = tpu.vector_load %arg11[%get3A_443, %get3A_444] {strides = array<i32>} : memref<128x128xf32, #tpu.memory_space<vmem>>, vector<1x16xf32>,
        %get3A_446 = vector.shape_cast %get3A_445 : vector<1x16xf32> to vector<16xf32>
        %mul3A_447 = arith.mulf %get3A_446, %gather3A_418 : vector<16xf32>
        %swap3A_448 = arith.index_cast %add3A_422 : i32 to index
        %swap3A_449 = arith.constant 32 : index
        %swap3A_450 = tpu.vector_load %arg11[%swap3A_448, %swap3A_449] {strides = array<i32>} : memref<128x128xf32, #tpu.memory_space<vmem>>, vector<1x16xf32>,
        %swap3A_451 = vector.shape_cast %swap3A_450 : vector<1x16xf32> to vector<16xf32>
        %swap3A_452 = vector.shape_cast %mul3A_447 : vector<16xf32> to vector<1x16xf32>
        tpu.vector_store %arg11[%swap3A_448, %swap3A_449], %swap3A_452 {strides = array<i32>} : memref<128x128xf32, #tpu.memory_space<vmem>>, vector<1x16xf32>,
        %get3A_453 = arith.index_cast %add3A_422 : i32 to index
        %get3A_454 = arith.constant 48 : index
        %get3A_455 = tpu.vector_load %arg11[%get3A_453, %get3A_454] {strides = array<i32>} : memref<128x128xf32, #tpu.memory_space<vmem>>, vector<1x16xf32>,
        %get3A_456 = vector.shape_cast %get3A_455 : vector<1x16xf32> to vector<16xf32>
        %mul3A_457 = arith.mulf %get3A_456, %gather3A_418 : vector<16xf32>
        %swap3A_458 = arith.index_cast %add3A_422 : i32 to index
        %swap3A_459 = arith.constant 48 : index
        %swap3A_460 = tpu.vector_load %arg11[%swap3A_458, %swap3A_459] {strides = array<i32>} : memref<128x128xf32, #tpu.memory_space<vmem>>, vector<1x16xf32>,
        %swap3A_461 = vector.shape_cast %swap3A_460 : vector<1x16xf32> to vector<16xf32>
        %swap3A_462 = vector.shape_cast %mul3A_457 : vector<16xf32> to vector<1x16xf32>
        tpu.vector_store %arg11[%swap3A_458, %swap3A_459], %swap3A_462 {strides = array<i32>} : memref<128x128xf32, #tpu.memory_space<vmem>>, vector<1x16xf32>,
        %get3A_463 = arith.index_cast %add3A_422 : i32 to index
        %get3A_464 = arith.constant 64 : index
        %get3A_465 = tpu.vector_load %arg11[%get3A_463, %get3A_464] {strides = array<i32>} : memref<128x128xf32, #tpu.memory_space<vmem>>, vector<1x16xf32>,
        %get3A_466 = vector.shape_cast %get3A_465 : vector<1x16xf32> to vector<16xf32>
        %mul3A_467 = arith.mulf %get3A_466, %gather3A_418 : vector<16xf32>
        %swap3A_468 = arith.index_cast %add3A_422 : i32 to index
        %swap3A_469 = arith.constant 64 : index
        %swap3A_470 = tpu.vector_load %arg11[%swap3A_468, %swap3A_469] {strides = array<i32>} : memref<128x128xf32, #tpu.memory_space<vmem>>, vector<1x16xf32>,
        %swap3A_471 = vector.shape_cast %swap3A_470 : vector<1x16xf32> to vector<16xf32>
        %swap3A_472 = vector.shape_cast %mul3A_467 : vector<16xf32> to vector<1x16xf32>
        tpu.vector_store %arg11[%swap3A_468, %swap3A_469], %swap3A_472 {strides = array<i32>} : memref<128x128xf32, #tpu.memory_space<vmem>>, vector<1x16xf32>,
        %get3A_473 = arith.index_cast %add3A_422 : i32 to index
        %get3A_474 = arith.constant 80 : index
        %get3A_475 = tpu.vector_load %arg11[%get3A_473, %get3A_474] {strides = array<i32>} : memref<128x128xf32, #tpu.memory_space<vmem>>, vector<1x16xf32>,
        %get3A_476 = vector.shape_cast %get3A_475 : vector<1x16xf32> to vector<16xf32>
        %mul3A_477 = arith.mulf %get3A_476, %gather3A_418 : vector<16xf32>
        %swap3A_478 = arith.index_cast %add3A_422 : i32 to index
        %swap3A_479 = arith.constant 80 : index
        %swap3A_480 = tpu.vector_load %arg11[%swap3A_478, %swap3A_479] {strides = array<i32>} : memref<128x128xf32, #tpu.memory_space<vmem>>, vector<1x16xf32>,
        %swap3A_481 = vector.shape_cast %swap3A_480 : vector<1x16xf32> to vector<16xf32>
        %swap3A_482 = vector.shape_cast %mul3A_477 : vector<16xf32> to vector<1x16xf32>
        tpu.vector_store %arg11[%swap3A_478, %swap3A_479], %swap3A_482 {strides = array<i32>} : memref<128x128xf32, #tpu.memory_space<vmem>>, vector<1x16xf32>,
        %get3A_483 = arith.index_cast %add3A_422 : i32 to index
        %get3A_484 = arith.constant 96 : index
        %get3A_485 = tpu.vector_load %arg11[%get3A_483, %get3A_484] {strides = array<i32>} : memref<128x128xf32, #tpu.memory_space<vmem>>, vector<1x16xf32>,
        %get3A_486 = vector.shape_cast %get3A_485 : vector<1x16xf32> to vector<16xf32>
        %mul3A_487 = arith.mulf %get3A_486, %gather3A_418 : vector<16xf32>
        %swap3A_488 = arith.index_cast %add3A_422 : i32 to index
        %swap3A_489 = arith.constant 96 : index
        %swap3A_490 = tpu.vector_load %arg11[%swap3A_488, %swap3A_489] {strides = array<i32>} : memref<128x128xf32, #tpu.memory_space<vmem>>, vector<1x16xf32>,
        %swap3A_491 = vector.shape_cast %swap3A_490 : vector<1x16xf32> to vector<16xf32>
        %swap3A_492 = vector.shape_cast %mul3A_487 : vector<16xf32> to vector<1x16xf32>
        tpu.vector_store %arg11[%swap3A_488, %swap3A_489], %swap3A_492 {strides = array<i32>} : memref<128x128xf32, #tpu.memory_space<vmem>>, vector<1x16xf32>,
        %get3A_493 = arith.index_cast %add3A_422 : i32 to index
        %get3A_494 = arith.constant 112 : index
        %get3A_495 = tpu.vector_load %arg11[%get3A_493, %get3A_494] {strides = array<i32>} : memref<128x128xf32, #tpu.memory_space<vmem>>, vector<1x16xf32>,
        %get3A_496 = vector.shape_cast %get3A_495 : vector<1x16xf32> to vector<16xf32>
        %mul3A_497 = arith.mulf %get3A_496, %gather3A_418 : vector<16xf32>
        %swap3A_498 = arith.index_cast %add3A_422 : i32 to index
        %swap3A_499 = arith.constant 112 : index
        %swap3A_500 = tpu.vector_load %arg11[%swap3A_498, %swap3A_499] {strides = array<i32>} : memref<128x128xf32, #tpu.memory_space<vmem>>, vector<1x16xf32>,
        %swap3A_501 = vector.shape_cast %swap3A_500 : vector<1x16xf32> to vector<16xf32>
        %swap3A_502 = vector.shape_cast %mul3A_497 : vector<16xf32> to vector<1x16xf32>
        tpu.vector_store %arg11[%swap3A_498, %swap3A_499], %swap3A_502 {strides = array<i32>} : memref<128x128xf32, #tpu.memory_space<vmem>>, vector<1x16xf32>,
        %broadcast_in_dim3A_503 = arith.constant 5 : i32
        %broadcast_in_dim3A_504 = vector.broadcast %broadcast_in_dim3A_503 : i32 to vector<16xi32>
        %lt3A_505 = arith.constant 0 : i32
        %lt3A_506 = vector.broadcast %lt3A_505 : i32 to vector<16xi32>
        %lt3A_507 = arith.cmpi slt, %broadcast_in_dim3A_504, %lt3A_506 : vector<16xi32>
        %add3A_508 = arith.constant 16 : i32
        %add3A_509 = vector.broadcast %add3A_508 : i32 to vector<16xi32>
        %add3A_510 = arith.addi %broadcast_in_dim3A_504, %add3A_509 : vector<16xi32>
        %select_n3A_511 = arith.select %lt3A_507, %add3A_510, %broadcast_in_dim3A_504 : vector<16xi1>, vector<16xi32>
        %broadcast_in_dim3A_512 = vector.shape_cast %select_n3A_511 : vector<16xi32> to vector<16x1xi32>
        %gather3A_513 = vector.shape_cast %broadcast_in_dim3A_512 : vector<16x1xi32> to vector<16xi32>
        %gather3A_514 = tpu.dynamic_gather %get3A_27[%gather3A_513] in [0] : vector<16xf32>, vector<16xi32> -> vector<16xf32>
        %mul3A_515 = arith.constant 16 : i32
        %mul3A_516 = arith.muli %scan3A_22, %mul3A_515 : i32
        %add3A_517 = arith.constant 5 : i32
        %add3A_518 = arith.addi %mul3A_516, %add3A_517 : i32
        %get3A_519 = arith.index_cast %add3A_518 : i32 to index
        %get3A_520 = arith.constant 0 : index
        %get3A_521 = tpu.vector_load %arg11[%get3A_519, %get3A_520] {strides = array<i32>} : memref<128x128xf32, #tpu.memory_space<vmem>>, vector<1x16xf32>,
        %get3A_522 = vector.shape_cast %get3A_521 : vector<1x16xf32> to vector<16xf32>
        %mul3A_523 = arith.mulf %get3A_522, %gather3A_514 : vector<16xf32>
        %swap3A_524 = arith.index_cast %add3A_518 : i32 to index
        %swap3A_525 = arith.constant 0 : index
        %swap3A_526 = tpu.vector_load %arg11[%swap3A_524, %swap3A_525] {strides = array<i32>} : memref<128x128xf32, #tpu.memory_space<vmem>>, vector<1x16xf32>,
        %swap3A_527 = vector.shape_cast %swap3A_526 : vector<1x16xf32> to vector<16xf32>
        %swap3A_528 = vector.shape_cast %mul3A_523 : vector<16xf32> to vector<1x16xf32>
        tpu.vector_store %arg11[%swap3A_524, %swap3A_525], %swap3A_528 {strides = array<i32>} : memref<128x128xf32, #tpu.memory_space<vmem>>, vector<1x16xf32>,
        %get3A_529 = arith.index_cast %add3A_518 : i32 to index
        %get3A_530 = arith.constant 16 : index
        %get3A_531 = tpu.vector_load %arg11[%get3A_529, %get3A_530] {strides = array<i32>} : memref<128x128xf32, #tpu.memory_space<vmem>>, vector<1x16xf32>,
        %get3A_532 = vector.shape_cast %get3A_531 : vector<1x16xf32> to vector<16xf32>
        %mul3A_533 = arith.mulf %get3A_532, %gather3A_514 : vector<16xf32>
        %swap3A_534 = arith.index_cast %add3A_518 : i32 to index
        %swap3A_535 = arith.constant 16 : index
        %swap3A_536 = tpu.vector_load %arg11[%swap3A_534, %swap3A_535] {strides = array<i32>} : memref<128x128xf32, #tpu.memory_space<vmem>>, vector<1x16xf32>,
        %swap3A_537 = vector.shape_cast %swap3A_536 : vector<1x16xf32> to vector<16xf32>
        %swap3A_538 = vector.shape_cast %mul3A_533 : vector<16xf32> to vector<1x16xf32>
        tpu.vector_store %arg11[%swap3A_534, %swap3A_535], %swap3A_538 {strides = array<i32>} : memref<128x128xf32, #tpu.memory_space<vmem>>, vector<1x16xf32>,
        %get3A_539 = arith.index_cast %add3A_518 : i32 to index
        %get3A_540 = arith.constant 32 : index
        %get3A_541 = tpu.vector_load %arg11[%get3A_539, %get3A_540] {strides = array<i32>} : memref<128x128xf32, #tpu.memory_space<vmem>>, vector<1x16xf32>,
        %get3A_542 = vector.shape_cast %get3A_541 : vector<1x16xf32> to vector<16xf32>
        %mul3A_543 = arith.mulf %get3A_542, %gather3A_514 : vector<16xf32>
        %swap3A_544 = arith.index_cast %add3A_518 : i32 to index
        %swap3A_545 = arith.constant 32 : index
        %swap3A_546 = tpu.vector_load %arg11[%swap3A_544, %swap3A_545] {strides = array<i32>} : memref<128x128xf32, #tpu.memory_space<vmem>>, vector<1x16xf32>,
        %swap3A_547 = vector.shape_cast %swap3A_546 : vector<1x16xf32> to vector<16xf32>
        %swap3A_548 = vector.shape_cast %mul3A_543 : vector<16xf32> to vector<1x16xf32>
        tpu.vector_store %arg11[%swap3A_544, %swap3A_545], %swap3A_548 {strides = array<i32>} : memref<128x128xf32, #tpu.memory_space<vmem>>, vector<1x16xf32>,
        %get3A_549 = arith.index_cast %add3A_518 : i32 to index
        %get3A_550 = arith.constant 48 : index
        %get3A_551 = tpu.vector_load %arg11[%get3A_549, %get3A_550] {strides = array<i32>} : memref<128x128xf32, #tpu.memory_space<vmem>>, vector<1x16xf32>,
        %get3A_552 = vector.shape_cast %get3A_551 : vector<1x16xf32> to vector<16xf32>
        %mul3A_553 = arith.mulf %get3A_552, %gather3A_514 : vector<16xf32>
        %swap3A_554 = arith.index_cast %add3A_518 : i32 to index
        %swap3A_555 = arith.constant 48 : index
        %swap3A_556 = tpu.vector_load %arg11[%swap3A_554, %swap3A_555] {strides = array<i32>} : memref<128x128xf32, #tpu.memory_space<vmem>>, vector<1x16xf32>,
        %swap3A_557 = vector.shape_cast %swap3A_556 : vector<1x16xf32> to vector<16xf32>
        %swap3A_558 = vector.shape_cast %mul3A_553 : vector<16xf32> to vector<1x16xf32>
        tpu.vector_store %arg11[%swap3A_554, %swap3A_555], %swap3A_558 {strides = array<i32>} : memref<128x128xf32, #tpu.memory_space<vmem>>, vector<1x16xf32>,
        %get3A_559 = arith.index_cast %add3A_518 : i32 to index
        %get3A_560 = arith.constant 64 : index
        %get3A_561 = tpu.vector_load %arg11[%get3A_559, %get3A_560] {strides = array<i32>} : memref<128x128xf32, #tpu.memory_space<vmem>>, vector<1x16xf32>,
        %get3A_562 = vector.shape_cast %get3A_561 : vector<1x16xf32> to vector<16xf32>
        %mul3A_563 = arith.mulf %get3A_562, %gather3A_514 : vector<16xf32>
        %swap3A_564 = arith.index_cast %add3A_518 : i32 to index
        %swap3A_565 = arith.constant 64 : index
        %swap3A_566 = tpu.vector_load %arg11[%swap3A_564, %swap3A_565] {strides = array<i32>} : memref<128x128xf32, #tpu.memory_space<vmem>>, vector<1x16xf32>,
        %swap3A_567 = vector.shape_cast %swap3A_566 : vector<1x16xf32> to vector<16xf32>
        %swap3A_568 = vector.shape_cast %mul3A_563 : vector<16xf32> to vector<1x16xf32>
        tpu.vector_store %arg11[%swap3A_564, %swap3A_565], %swap3A_568 {strides = array<i32>} : memref<128x128xf32, #tpu.memory_space<vmem>>, vector<1x16xf32>,
        %get3A_569 = arith.index_cast %add3A_518 : i32 to index
        %get3A_570 = arith.constant 80 : index
        %get3A_571 = tpu.vector_load %arg11[%get3A_569, %get3A_570] {strides = array<i32>} : memref<128x128xf32, #tpu.memory_space<vmem>>, vector<1x16xf32>,
        %get3A_572 = vector.shape_cast %get3A_571 : vector<1x16xf32> to vector<16xf32>
        %mul3A_573 = arith.mulf %get3A_572, %gather3A_514 : vector<16xf32>
        %swap3A_574 = arith.index_cast %add3A_518 : i32 to index
        %swap3A_575 = arith.constant 80 : index
        %swap3A_576 = tpu.vector_load %arg11[%swap3A_574, %swap3A_575] {strides = array<i32>} : memref<128x128xf32, #tpu.memory_space<vmem>>, vector<1x16xf32>,
        %swap3A_577 = vector.shape_cast %swap3A_576 : vector<1x16xf32> to vector<16xf32>
        %swap3A_578 = vector.shape_cast %mul3A_573 : vector<16xf32> to vector<1x16xf32>
        tpu.vector_store %arg11[%swap3A_574, %swap3A_575], %swap3A_578 {strides = array<i32>} : memref<128x128xf32, #tpu.memory_space<vmem>>, vector<1x16xf32>,
        %get3A_579 = arith.index_cast %add3A_518 : i32 to index
        %get3A_580 = arith.constant 96 : index
        %get3A_581 = tpu.vector_load %arg11[%get3A_579, %get3A_580] {strides = array<i32>} : memref<128x128xf32, #tpu.memory_space<vmem>>, vector<1x16xf32>,
        %get3A_582 = vector.shape_cast %get3A_581 : vector<1x16xf32> to vector<16xf32>
        %mul3A_583 = arith.mulf %get3A_582, %gather3A_514 : vector<16xf32>
        %swap3A_584 = arith.index_cast %add3A_518 : i32 to index
        %swap3A_585 = arith.constant 96 : index
        %swap3A_586 = tpu.vector_load %arg11[%swap3A_584, %swap3A_585] {strides = array<i32>} : memref<128x128xf32, #tpu.memory_space<vmem>>, vector<1x16xf32>,
        %swap3A_587 = vector.shape_cast %swap3A_586 : vector<1x16xf32> to vector<16xf32>
        %swap3A_588 = vector.shape_cast %mul3A_583 : vector<16xf32> to vector<1x16xf32>
        tpu.vector_store %arg11[%swap3A_584, %swap3A_585], %swap3A_588 {strides = array<i32>} : memref<128x128xf32, #tpu.memory_space<vmem>>, vector<1x16xf32>,
        %get3A_589 = arith.index_cast %add3A_518 : i32 to index
        %get3A_590 = arith.constant 112 : index
        %get3A_591 = tpu.vector_load %arg11[%get3A_589, %get3A_590] {strides = array<i32>} : memref<128x128xf32, #tpu.memory_space<vmem>>, vector<1x16xf32>,
        %get3A_592 = vector.shape_cast %get3A_591 : vector<1x16xf32> to vector<16xf32>
        %mul3A_593 = arith.mulf %get3A_592, %gather3A_514 : vector<16xf32>
        %swap3A_594 = arith.index_cast %add3A_518 : i32 to index
        %swap3A_595 = arith.constant 112 : index
        %swap3A_596 = tpu.vector_load %arg11[%swap3A_594, %swap3A_595] {strides = array<i32>} : memref<128x128xf32, #tpu.memory_space<vmem>>, vector<1x16xf32>,
        %swap3A_597 = vector.shape_cast %swap3A_596 : vector<1x16xf32> to vector<16xf32>
        %swap3A_598 = vector.shape_cast %mul3A_593 : vector<16xf32> to vector<1x16xf32>
        tpu.vector_store %arg11[%swap3A_594, %swap3A_595], %swap3A_598 {strides = array<i32>} : memref<128x128xf32, #tpu.memory_space<vmem>>, vector<1x16xf32>,
        %broadcast_in_dim3A_599 = arith.constant 6 : i32
        %broadcast_in_dim3A_600 = vector.broadcast %broadcast_in_dim3A_599 : i32 to vector<16xi32>
        %lt3A_601 = arith.constant 0 : i32
        %lt3A_602 = vector.broadcast %lt3A_601 : i32 to vector<16xi32>
        %lt3A_603 = arith.cmpi slt, %broadcast_in_dim3A_600, %lt3A_602 : vector<16xi32>
        %add3A_604 = arith.constant 16 : i32
        %add3A_605 = vector.broadcast %add3A_604 : i32 to vector<16xi32>
        %add3A_606 = arith.addi %broadcast_in_dim3A_600, %add3A_605 : vector<16xi32>
        %select_n3A_607 = arith.select %lt3A_603, %add3A_606, %broadcast_in_dim3A_600 : vector<16xi1>, vector<16xi32>
        %broadcast_in_dim3A_608 = vector.shape_cast %select_n3A_607 : vector<16xi32> to vector<16x1xi32>
        %gather3A_609 = vector.shape_cast %broadcast_in_dim3A_608 : vector<16x1xi32> to vector<16xi32>
        %gather3A_610 = tpu.dynamic_gather %get3A_27[%gather3A_609] in [0] : vector<16xf32>, vector<16xi32> -> vector<16xf32>
        %mul3A_611 = arith.constant 16 : i32
        %mul3A_612 = arith.muli %scan3A_22, %mul3A_611 : i32
        %add3A_613 = arith.constant 6 : i32
        %add3A_614 = arith.addi %mul3A_612, %add3A_613 : i32
        %get3A_615 = arith.index_cast %add3A_614 : i32 to index
        %get3A_616 = arith.constant 0 : index
        %get3A_617 = tpu.vector_load %arg11[%get3A_615, %get3A_616] {strides = array<i32>} : memref<128x128xf32, #tpu.memory_space<vmem>>, vector<1x16xf32>,
        %get3A_618 = vector.shape_cast %get3A_617 : vector<1x16xf32> to vector<16xf32>
        %mul3A_619 = arith.mulf %get3A_618, %gather3A_610 : vector<16xf32>
        %swap3A_620 = arith.index_cast %add3A_614 : i32 to index
        %swap3A_621 = arith.constant 0 : index
        %swap3A_622 = tpu.vector_load %arg11[%swap3A_620, %swap3A_621] {strides = array<i32>} : memref<128x128xf32, #tpu.memory_space<vmem>>, vector<1x16xf32>,
        %swap3A_623 = vector.shape_cast %swap3A_622 : vector<1x16xf32> to vector<16xf32>
        %swap3A_624 = vector.shape_cast %mul3A_619 : vector<16xf32> to vector<1x16xf32>
        tpu.vector_store %arg11[%swap3A_620, %swap3A_621], %swap3A_624 {strides = array<i32>} : memref<128x128xf32, #tpu.memory_space<vmem>>, vector<1x16xf32>,
        %get3A_625 = arith.index_cast %add3A_614 : i32 to index
        %get3A_626 = arith.constant 16 : index
        %get3A_627 = tpu.vector_load %arg11[%get3A_625, %get3A_626] {strides = array<i32>} : memref<128x128xf32, #tpu.memory_space<vmem>>, vector<1x16xf32>,
        %get3A_628 = vector.shape_cast %get3A_627 : vector<1x16xf32> to vector<16xf32>
        %mul3A_629 = arith.mulf %get3A_628, %gather3A_610 : vector<16xf32>
        %swap3A_630 = arith.index_cast %add3A_614 : i32 to index
        %swap3A_631 = arith.constant 16 : index
        %swap3A_632 = tpu.vector_load %arg11[%swap3A_630, %swap3A_631] {strides = array<i32>} : memref<128x128xf32, #tpu.memory_space<vmem>>, vector<1x16xf32>,
        %swap3A_633 = vector.shape_cast %swap3A_632 : vector<1x16xf32> to vector<16xf32>
        %swap3A_634 = vector.shape_cast %mul3A_629 : vector<16xf32> to vector<1x16xf32>
        tpu.vector_store %arg11[%swap3A_630, %swap3A_631], %swap3A_634 {strides = array<i32>} : memref<128x128xf32, #tpu.memory_space<vmem>>, vector<1x16xf32>,
        %get3A_635 = arith.index_cast %add3A_614 : i32 to index
        %get3A_636 = arith.constant 32 : index
        %get3A_637 = tpu.vector_load %arg11[%get3A_635, %get3A_636] {strides = array<i32>} : memref<128x128xf32, #tpu.memory_space<vmem>>, vector<1x16xf32>,
        %get3A_638 = vector.shape_cast %get3A_637 : vector<1x16xf32> to vector<16xf32>
        %mul3A_639 = arith.mulf %get3A_638, %gather3A_610 : vector<16xf32>
        %swap3A_640 = arith.index_cast %add3A_614 : i32 to index
        %swap3A_641 = arith.constant 32 : index
        %swap3A_642 = tpu.vector_load %arg11[%swap3A_640, %swap3A_641] {strides = array<i32>} : memref<128x128xf32, #tpu.memory_space<vmem>>, vector<1x16xf32>,
        %swap3A_643 = vector.shape_cast %swap3A_642 : vector<1x16xf32> to vector<16xf32>
        %swap3A_644 = vector.shape_cast %mul3A_639 : vector<16xf32> to vector<1x16xf32>
        tpu.vector_store %arg11[%swap3A_640, %swap3A_641], %swap3A_644 {strides = array<i32>} : memref<128x128xf32, #tpu.memory_space<vmem>>, vector<1x16xf32>,
        %get3A_645 = arith.index_cast %add3A_614 : i32 to index
        %get3A_646 = arith.constant 48 : index
        %get3A_647 = tpu.vector_load %arg11[%get3A_645, %get3A_646] {strides = array<i32>} : memref<128x128xf32, #tpu.memory_space<vmem>>, vector<1x16xf32>,
        %get3A_648 = vector.shape_cast %get3A_647 : vector<1x16xf32> to vector<16xf32>
        %mul3A_649 = arith.mulf %get3A_648, %gather3A_610 : vector<16xf32>
        %swap3A_650 = arith.index_cast %add3A_614 : i32 to index
        %swap3A_651 = arith.constant 48 : index
        %swap3A_652 = tpu.vector_load %arg11[%swap3A_650, %swap3A_651] {strides = array<i32>} : memref<128x128xf32, #tpu.memory_space<vmem>>, vector<1x16xf32>,
        %swap3A_653 = vector.shape_cast %swap3A_652 : vector<1x16xf32> to vector<16xf32>
        %swap3A_654 = vector.shape_cast %mul3A_649 : vector<16xf32> to vector<1x16xf32>
        tpu.vector_store %arg11[%swap3A_650, %swap3A_651], %swap3A_654 {strides = array<i32>} : memref<128x128xf32, #tpu.memory_space<vmem>>, vector<1x16xf32>,
        %get3A_655 = arith.index_cast %add3A_614 : i32 to index
        %get3A_656 = arith.constant 64 : index
        %get3A_657 = tpu.vector_load %arg11[%get3A_655, %get3A_656] {strides = array<i32>} : memref<128x128xf32, #tpu.memory_space<vmem>>, vector<1x16xf32>,
        %get3A_658 = vector.shape_cast %get3A_657 : vector<1x16xf32> to vector<16xf32>
        %mul3A_659 = arith.mulf %get3A_658, %gather3A_610 : vector<16xf32>
        %swap3A_660 = arith.index_cast %add3A_614 : i32 to index
        %swap3A_661 = arith.constant 64 : index
        %swap3A_662 = tpu.vector_load %arg11[%swap3A_660, %swap3A_661] {strides = array<i32>} : memref<128x128xf32, #tpu.memory_space<vmem>>, vector<1x16xf32>,
        %swap3A_663 = vector.shape_cast %swap3A_662 : vector<1x16xf32> to vector<16xf32>
        %swap3A_664 = vector.shape_cast %mul3A_659 : vector<16xf32> to vector<1x16xf32>
        tpu.vector_store %arg11[%swap3A_660, %swap3A_661], %swap3A_664 {strides = array<i32>} : memref<128x128xf32, #tpu.memory_space<vmem>>, vector<1x16xf32>,
        %get3A_665 = arith.index_cast %add3A_614 : i32 to index
        %get3A_666 = arith.constant 80 : index
        %get3A_667 = tpu.vector_load %arg11[%get3A_665, %get3A_666] {strides = array<i32>} : memref<128x128xf32, #tpu.memory_space<vmem>>, vector<1x16xf32>,
        %get3A_668 = vector.shape_cast %get3A_667 : vector<1x16xf32> to vector<16xf32>
        %mul3A_669 = arith.mulf %get3A_668, %gather3A_610 : vector<16xf32>
        %swap3A_670 = arith.index_cast %add3A_614 : i32 to index
        %swap3A_671 = arith.constant 80 : index
        %swap3A_672 = tpu.vector_load %arg11[%swap3A_670, %swap3A_671] {strides = array<i32>} : memref<128x128xf32, #tpu.memory_space<vmem>>, vector<1x16xf32>,
        %swap3A_673 = vector.shape_cast %swap3A_672 : vector<1x16xf32> to vector<16xf32>
        %swap3A_674 = vector.shape_cast %mul3A_669 : vector<16xf32> to vector<1x16xf32>
        tpu.vector_store %arg11[%swap3A_670, %swap3A_671], %swap3A_674 {strides = array<i32>} : memref<128x128xf32, #tpu.memory_space<vmem>>, vector<1x16xf32>,
        %get3A_675 = arith.index_cast %add3A_614 : i32 to index
        %get3A_676 = arith.constant 96 : index
        %get3A_677 = tpu.vector_load %arg11[%get3A_675, %get3A_676] {strides = array<i32>} : memref<128x128xf32, #tpu.memory_space<vmem>>, vector<1x16xf32>,
        %get3A_678 = vector.shape_cast %get3A_677 : vector<1x16xf32> to vector<16xf32>
        %mul3A_679 = arith.mulf %get3A_678, %gather3A_610 : vector<16xf32>
        %swap3A_680 = arith.index_cast %add3A_614 : i32 to index
        %swap3A_681 = arith.constant 96 : index
        %swap3A_682 = tpu.vector_load %arg11[%swap3A_680, %swap3A_681] {strides = array<i32>} : memref<128x128xf32, #tpu.memory_space<vmem>>, vector<1x16xf32>,
        %swap3A_683 = vector.shape_cast %swap3A_682 : vector<1x16xf32> to vector<16xf32>
        %swap3A_684 = vector.shape_cast %mul3A_679 : vector<16xf32> to vector<1x16xf32>
        tpu.vector_store %arg11[%swap3A_680, %swap3A_681], %swap3A_684 {strides = array<i32>} : memref<128x128xf32, #tpu.memory_space<vmem>>, vector<1x16xf32>,
        %get3A_685 = arith.index_cast %add3A_614 : i32 to index
        %get3A_686 = arith.constant 112 : index
        %get3A_687 = tpu.vector_load %arg11[%get3A_685, %get3A_686] {strides = array<i32>} : memref<128x128xf32, #tpu.memory_space<vmem>>, vector<1x16xf32>,
        %get3A_688 = vector.shape_cast %get3A_687 : vector<1x16xf32> to vector<16xf32>
        %mul3A_689 = arith.mulf %get3A_688, %gather3A_610 : vector<16xf32>
        %swap3A_690 = arith.index_cast %add3A_614 : i32 to index
        %swap3A_691 = arith.constant 112 : index
        %swap3A_692 = tpu.vector_load %arg11[%swap3A_690, %swap3A_691] {strides = array<i32>} : memref<128x128xf32, #tpu.memory_space<vmem>>, vector<1x16xf32>,
        %swap3A_693 = vector.shape_cast %swap3A_692 : vector<1x16xf32> to vector<16xf32>
        %swap3A_694 = vector.shape_cast %mul3A_689 : vector<16xf32> to vector<1x16xf32>
        tpu.vector_store %arg11[%swap3A_690, %swap3A_691], %swap3A_694 {strides = array<i32>} : memref<128x128xf32, #tpu.memory_space<vmem>>, vector<1x16xf32>,
        %broadcast_in_dim3A_695 = arith.constant 7 : i32
        %broadcast_in_dim3A_696 = vector.broadcast %broadcast_in_dim3A_695 : i32 to vector<16xi32>
        %lt3A_697 = arith.constant 0 : i32
        %lt3A_698 = vector.broadcast %lt3A_697 : i32 to vector<16xi32>
        %lt3A_699 = arith.cmpi slt, %broadcast_in_dim3A_696, %lt3A_698 : vector<16xi32>
        %add3A_700 = arith.constant 16 : i32
        %add3A_701 = vector.broadcast %add3A_700 : i32 to vector<16xi32>
        %add3A_702 = arith.addi %broadcast_in_dim3A_696, %add3A_701 : vector<16xi32>
        %select_n3A_703 = arith.select %lt3A_699, %add3A_702, %broadcast_in_dim3A_696 : vector<16xi1>, vector<16xi32>
        %broadcast_in_dim3A_704 = vector.shape_cast %select_n3A_703 : vector<16xi32> to vector<16x1xi32>
        %gather3A_705 = vector.shape_cast %broadcast_in_dim3A_704 : vector<16x1xi32> to vector<16xi32>
        %gather3A_706 = tpu.dynamic_gather %get3A_27[%gather3A_705] in [0] : vector<16xf32>, vector<16xi32> -> vector<16xf32>
        %mul3A_707 = arith.constant 16 : i32
        %mul3A_708 = arith.muli %scan3A_22, %mul3A_707 : i32
        %add3A_709 = arith.constant 7 : i32
        %add3A_710 = arith.addi %mul3A_708, %add3A_709 : i32
        %get3A_711 = arith.index_cast %add3A_710 : i32 to index
        %get3A_712 = arith.constant 0 : index
        %get3A_713 = tpu.vector_load %arg11[%get3A_711, %get3A_712] {strides = array<i32>} : memref<128x128xf32, #tpu.memory_space<vmem>>, vector<1x16xf32>,
        %get3A_714 = vector.shape_cast %get3A_713 : vector<1x16xf32> to vector<16xf32>
        %mul3A_715 = arith.mulf %get3A_714, %gather3A_706 : vector<16xf32>
        %swap3A_716 = arith.index_cast %add3A_710 : i32 to index
        %swap3A_717 = arith.constant 0 : index
        %swap3A_718 = tpu.vector_load %arg11[%swap3A_716, %swap3A_717] {strides = array<i32>} : memref<128x128xf32, #tpu.memory_space<vmem>>, vector<1x16xf32>,
        %swap3A_719 = vector.shape_cast %swap3A_718 : vector<1x16xf32> to vector<16xf32>
        %swap3A_720 = vector.shape_cast %mul3A_715 : vector<16xf32> to vector<1x16xf32>
        tpu.vector_store %arg11[%swap3A_716, %swap3A_717], %swap3A_720 {strides = array<i32>} : memref<128x128xf32, #tpu.memory_space<vmem>>, vector<1x16xf32>,
        %get3A_721 = arith.index_cast %add3A_710 : i32 to index
        %get3A_722 = arith.constant 16 : index
        %get3A_723 = tpu.vector_load %arg11[%get3A_721, %get3A_722] {strides = array<i32>} : memref<128x128xf32, #tpu.memory_space<vmem>>, vector<1x16xf32>,
        %get3A_724 = vector.shape_cast %get3A_723 : vector<1x16xf32> to vector<16xf32>
        %mul3A_725 = arith.mulf %get3A_724, %gather3A_706 : vector<16xf32>
        %swap3A_726 = arith.index_cast %add3A_710 : i32 to index
        %swap3A_727 = arith.constant 16 : index
        %swap3A_728 = tpu.vector_load %arg11[%swap3A_726, %swap3A_727] {strides = array<i32>} : memref<128x128xf32, #tpu.memory_space<vmem>>, vector<1x16xf32>,
        %swap3A_729 = vector.shape_cast %swap3A_728 : vector<1x16xf32> to vector<16xf32>
        %swap3A_730 = vector.shape_cast %mul3A_725 : vector<16xf32> to vector<1x16xf32>
        tpu.vector_store %arg11[%swap3A_726, %swap3A_727], %swap3A_730 {strides = array<i32>} : memref<128x128xf32, #tpu.memory_space<vmem>>, vector<1x16xf32>,
        %get3A_731 = arith.index_cast %add3A_710 : i32 to index
        %get3A_732 = arith.constant 32 : index
        %get3A_733 = tpu.vector_load %arg11[%get3A_731, %get3A_732] {strides = array<i32>} : memref<128x128xf32, #tpu.memory_space<vmem>>, vector<1x16xf32>,
        %get3A_734 = vector.shape_cast %get3A_733 : vector<1x16xf32> to vector<16xf32>
        %mul3A_735 = arith.mulf %get3A_734, %gather3A_706 : vector<16xf32>
        %swap3A_736 = arith.index_cast %add3A_710 : i32 to index
        %swap3A_737 = arith.constant 32 : index
        %swap3A_738 = tpu.vector_load %arg11[%swap3A_736, %swap3A_737] {strides = array<i32>} : memref<128x128xf32, #tpu.memory_space<vmem>>, vector<1x16xf32>,
        %swap3A_739 = vector.shape_cast %swap3A_738 : vector<1x16xf32> to vector<16xf32>
        %swap3A_740 = vector.shape_cast %mul3A_735 : vector<16xf32> to vector<1x16xf32>
        tpu.vector_store %arg11[%swap3A_736, %swap3A_737], %swap3A_740 {strides = array<i32>} : memref<128x128xf32, #tpu.memory_space<vmem>>, vector<1x16xf32>,
        %get3A_741 = arith.index_cast %add3A_710 : i32 to index
        %get3A_742 = arith.constant 48 : index
        %get3A_743 = tpu.vector_load %arg11[%get3A_741, %get3A_742] {strides = array<i32>} : memref<128x128xf32, #tpu.memory_space<vmem>>, vector<1x16xf32>,
        %get3A_744 = vector.shape_cast %get3A_743 : vector<1x16xf32> to vector<16xf32>
        %mul3A_745 = arith.mulf %get3A_744, %gather3A_706 : vector<16xf32>
        %swap3A_746 = arith.index_cast %add3A_710 : i32 to index
        %swap3A_747 = arith.constant 48 : index
        %swap3A_748 = tpu.vector_load %arg11[%swap3A_746, %swap3A_747] {strides = array<i32>} : memref<128x128xf32, #tpu.memory_space<vmem>>, vector<1x16xf32>,
        %swap3A_749 = vector.shape_cast %swap3A_748 : vector<1x16xf32> to vector<16xf32>
        %swap3A_750 = vector.shape_cast %mul3A_745 : vector<16xf32> to vector<1x16xf32>
        tpu.vector_store %arg11[%swap3A_746, %swap3A_747], %swap3A_750 {strides = array<i32>} : memref<128x128xf32, #tpu.memory_space<vmem>>, vector<1x16xf32>,
        %get3A_751 = arith.index_cast %add3A_710 : i32 to index
        %get3A_752 = arith.constant 64 : index
        %get3A_753 = tpu.vector_load %arg11[%get3A_751, %get3A_752] {strides = array<i32>} : memref<128x128xf32, #tpu.memory_space<vmem>>, vector<1x16xf32>,
        %get3A_754 = vector.shape_cast %get3A_753 : vector<1x16xf32> to vector<16xf32>
        %mul3A_755 = arith.mulf %get3A_754, %gather3A_706 : vector<16xf32>
        %swap3A_756 = arith.index_cast %add3A_710 : i32 to index
        %swap3A_757 = arith.constant 64 : index
        %swap3A_758 = tpu.vector_load %arg11[%swap3A_756, %swap3A_757] {strides = array<i32>} : memref<128x128xf32, #tpu.memory_space<vmem>>, vector<1x16xf32>,
        %swap3A_759 = vector.shape_cast %swap3A_758 : vector<1x16xf32> to vector<16xf32>
        %swap3A_760 = vector.shape_cast %mul3A_755 : vector<16xf32> to vector<1x16xf32>
        tpu.vector_store %arg11[%swap3A_756, %swap3A_757], %swap3A_760 {strides = array<i32>} : memref<128x128xf32, #tpu.memory_space<vmem>>, vector<1x16xf32>,
        %get3A_761 = arith.index_cast %add3A_710 : i32 to index
        %get3A_762 = arith.constant 80 : index
        %get3A_763 = tpu.vector_load %arg11[%get3A_761, %get3A_762] {strides = array<i32>} : memref<128x128xf32, #tpu.memory_space<vmem>>, vector<1x16xf32>,
        %get3A_764 = vector.shape_cast %get3A_763 : vector<1x16xf32> to vector<16xf32>
        %mul3A_765 = arith.mulf %get3A_764, %gather3A_706 : vector<16xf32>
        %swap3A_766 = arith.index_cast %add3A_710 : i32 to index
        %swap3A_767 = arith.constant 80 : index
        %swap3A_768 = tpu.vector_load %arg11[%swap3A_766, %swap3A_767] {strides = array<i32>} : memref<128x128xf32, #tpu.memory_space<vmem>>, vector<1x16xf32>,
        %swap3A_769 = vector.shape_cast %swap3A_768 : vector<1x16xf32> to vector<16xf32>
        %swap3A_770 = vector.shape_cast %mul3A_765 : vector<16xf32> to vector<1x16xf32>
        tpu.vector_store %arg11[%swap3A_766, %swap3A_767], %swap3A_770 {strides = array<i32>} : memref<128x128xf32, #tpu.memory_space<vmem>>, vector<1x16xf32>,
        %get3A_771 = arith.index_cast %add3A_710 : i32 to index
        %get3A_772 = arith.constant 96 : index
        %get3A_773 = tpu.vector_load %arg11[%get3A_771, %get3A_772] {strides = array<i32>} : memref<128x128xf32, #tpu.memory_space<vmem>>, vector<1x16xf32>,
        %get3A_774 = vector.shape_cast %get3A_773 : vector<1x16xf32> to vector<16xf32>
        %mul3A_775 = arith.mulf %get3A_774, %gather3A_706 : vector<16xf32>
        %swap3A_776 = arith.index_cast %add3A_710 : i32 to index
        %swap3A_777 = arith.constant 96 : index
        %swap3A_778 = tpu.vector_load %arg11[%swap3A_776, %swap3A_777] {strides = array<i32>} : memref<128x128xf32, #tpu.memory_space<vmem>>, vector<1x16xf32>,
        %swap3A_779 = vector.shape_cast %swap3A_778 : vector<1x16xf32> to vector<16xf32>
        %swap3A_780 = vector.shape_cast %mul3A_775 : vector<16xf32> to vector<1x16xf32>
        tpu.vector_store %arg11[%swap3A_776, %swap3A_777], %swap3A_780 {strides = array<i32>} : memref<128x128xf32, #tpu.memory_space<vmem>>, vector<1x16xf32>,
        %get3A_781 = arith.index_cast %add3A_710 : i32 to index
        %get3A_782 = arith.constant 112 : index
        %get3A_783 = tpu.vector_load %arg11[%get3A_781, %get3A_782] {strides = array<i32>} : memref<128x128xf32, #tpu.memory_space<vmem>>, vector<1x16xf32>,
        %get3A_784 = vector.shape_cast %get3A_783 : vector<1x16xf32> to vector<16xf32>
        %mul3A_785 = arith.mulf %get3A_784, %gather3A_706 : vector<16xf32>
        %swap3A_786 = arith.index_cast %add3A_710 : i32 to index
        %swap3A_787 = arith.constant 112 : index
        %swap3A_788 = tpu.vector_load %arg11[%swap3A_786, %swap3A_787] {strides = array<i32>} : memref<128x128xf32, #tpu.memory_space<vmem>>, vector<1x16xf32>,
        %swap3A_789 = vector.shape_cast %swap3A_788 : vector<1x16xf32> to vector<16xf32>
        %swap3A_790 = vector.shape_cast %mul3A_785 : vector<16xf32> to vector<1x16xf32>
        tpu.vector_store %arg11[%swap3A_786, %swap3A_787], %swap3A_790 {strides = array<i32>} : memref<128x128xf32, #tpu.memory_space<vmem>>, vector<1x16xf32>,
        %broadcast_in_dim3A_791 = arith.constant 8 : i32
        %broadcast_in_dim3A_792 = vector.broadcast %broadcast_in_dim3A_791 : i32 to vector<16xi32>
        %lt3A_793 = arith.constant 0 : i32
        %lt3A_794 = vector.broadcast %lt3A_793 : i32 to vector<16xi32>
        %lt3A_795 = arith.cmpi slt, %broadcast_in_dim3A_792, %lt3A_794 : vector<16xi32>
        %add3A_796 = arith.constant 16 : i32
        %add3A_797 = vector.broadcast %add3A_796 : i32 to vector<16xi32>
        %add3A_798 = arith.addi %broadcast_in_dim3A_792, %add3A_797 : vector<16xi32>
        %select_n3A_799 = arith.select %lt3A_795, %add3A_798, %broadcast_in_dim3A_792 : vector<16xi1>, vector<16xi32>
        %broadcast_in_dim3A_800 = vector.shape_cast %select_n3A_799 : vector<16xi32> to vector<16x1xi32>
        %gather3A_801 = vector.shape_cast %broadcast_in_dim3A_800 : vector<16x1xi32> to vector<16xi32>
        %gather3A_802 = tpu.dynamic_gather %get3A_27[%gather3A_801] in [0] : vector<16xf32>, vector<16xi32> -> vector<16xf32>
        %mul3A_803 = arith.constant 16 : i32
        %mul3A_804 = arith.muli %scan3A_22, %mul3A_803 : i32
        %add3A_805 = arith.constant 8 : i32
        %add3A_806 = arith.addi %mul3A_804, %add3A_805 : i32
        %get3A_807 = arith.index_cast %add3A_806 : i32 to index
        %get3A_808 = arith.constant 0 : index
        %get3A_809 = tpu.vector_load %arg11[%get3A_807, %get3A_808] {strides = array<i32>} : memref<128x128xf32, #tpu.memory_space<vmem>>, vector<1x16xf32>,
        %get3A_810 = vector.shape_cast %get3A_809 : vector<1x16xf32> to vector<16xf32>
        %mul3A_811 = arith.mulf %get3A_810, %gather3A_802 : vector<16xf32>
        %swap3A_812 = arith.index_cast %add3A_806 : i32 to index
        %swap3A_813 = arith.constant 0 : index
        %swap3A_814 = tpu.vector_load %arg11[%swap3A_812, %swap3A_813] {strides = array<i32>} : memref<128x128xf32, #tpu.memory_space<vmem>>, vector<1x16xf32>,
        %swap3A_815 = vector.shape_cast %swap3A_814 : vector<1x16xf32> to vector<16xf32>
        %swap3A_816 = vector.shape_cast %mul3A_811 : vector<16xf32> to vector<1x16xf32>
        tpu.vector_store %arg11[%swap3A_812, %swap3A_813], %swap3A_816 {strides = array<i32>} : memref<128x128xf32, #tpu.memory_space<vmem>>, vector<1x16xf32>,
        %get3A_817 = arith.index_cast %add3A_806 : i32 to index
        %get3A_818 = arith.constant 16 : index
        %get3A_819 = tpu.vector_load %arg11[%get3A_817, %get3A_818] {strides = array<i32>} : memref<128x128xf32, #tpu.memory_space<vmem>>, vector<1x16xf32>,
        %get3A_820 = vector.shape_cast %get3A_819 : vector<1x16xf32> to vector<16xf32>
        %mul3A_821 = arith.mulf %get3A_820, %gather3A_802 : vector<16xf32>
        %swap3A_822 = arith.index_cast %add3A_806 : i32 to index
        %swap3A_823 = arith.constant 16 : index
        %swap3A_824 = tpu.vector_load %arg11[%swap3A_822, %swap3A_823] {strides = array<i32>} : memref<128x128xf32, #tpu.memory_space<vmem>>, vector<1x16xf32>,
        %swap3A_825 = vector.shape_cast %swap3A_824 : vector<1x16xf32> to vector<16xf32>
        %swap3A_826 = vector.shape_cast %mul3A_821 : vector<16xf32> to vector<1x16xf32>
        tpu.vector_store %arg11[%swap3A_822, %swap3A_823], %swap3A_826 {strides = array<i32>} : memref<128x128xf32, #tpu.memory_space<vmem>>, vector<1x16xf32>,
        %get3A_827 = arith.index_cast %add3A_806 : i32 to index
        %get3A_828 = arith.constant 32 : index
        %get3A_829 = tpu.vector_load %arg11[%get3A_827, %get3A_828] {strides = array<i32>} : memref<128x128xf32, #tpu.memory_space<vmem>>, vector<1x16xf32>,
        %get3A_830 = vector.shape_cast %get3A_829 : vector<1x16xf32> to vector<16xf32>
        %mul3A_831 = arith.mulf %get3A_830, %gather3A_802 : vector<16xf32>
        %swap3A_832 = arith.index_cast %add3A_806 : i32 to index
        %swap3A_833 = arith.constant 32 : index
        %swap3A_834 = tpu.vector_load %arg11[%swap3A_832, %swap3A_833] {strides = array<i32>} : memref<128x128xf32, #tpu.memory_space<vmem>>, vector<1x16xf32>,
        %swap3A_835 = vector.shape_cast %swap3A_834 : vector<1x16xf32> to vector<16xf32>
        %swap3A_836 = vector.shape_cast %mul3A_831 : vector<16xf32> to vector<1x16xf32>
        tpu.vector_store %arg11[%swap3A_832, %swap3A_833], %swap3A_836 {strides = array<i32>} : memref<128x128xf32, #tpu.memory_space<vmem>>, vector<1x16xf32>,
        %get3A_837 = arith.index_cast %add3A_806 : i32 to index
        %get3A_838 = arith.constant 48 : index
        %get3A_839 = tpu.vector_load %arg11[%get3A_837, %get3A_838] {strides = array<i32>} : memref<128x128xf32, #tpu.memory_space<vmem>>, vector<1x16xf32>,
        %get3A_840 = vector.shape_cast %get3A_839 : vector<1x16xf32> to vector<16xf32>
        %mul3A_841 = arith.mulf %get3A_840, %gather3A_802 : vector<16xf32>
        %swap3A_842 = arith.index_cast %add3A_806 : i32 to index
        %swap3A_843 = arith.constant 48 : index
        %swap3A_844 = tpu.vector_load %arg11[%swap3A_842, %swap3A_843] {strides = array<i32>} : memref<128x128xf32, #tpu.memory_space<vmem>>, vector<1x16xf32>,
        %swap3A_845 = vector.shape_cast %swap3A_844 : vector<1x16xf32> to vector<16xf32>
        %swap3A_846 = vector.shape_cast %mul3A_841 : vector<16xf32> to vector<1x16xf32>
        tpu.vector_store %arg11[%swap3A_842, %swap3A_843], %swap3A_846 {strides = array<i32>} : memref<128x128xf32, #tpu.memory_space<vmem>>, vector<1x16xf32>,
        %get3A_847 = arith.index_cast %add3A_806 : i32 to index
        %get3A_848 = arith.constant 64 : index
        %get3A_849 = tpu.vector_load %arg11[%get3A_847, %get3A_848] {strides = array<i32>} : memref<128x128xf32, #tpu.memory_space<vmem>>, vector<1x16xf32>,
        %get3A_850 = vector.shape_cast %get3A_849 : vector<1x16xf32> to vector<16xf32>
        %mul3A_851 = arith.mulf %get3A_850, %gather3A_802 : vector<16xf32>
        %swap3A_852 = arith.index_cast %add3A_806 : i32 to index
        %swap3A_853 = arith.constant 64 : index
        %swap3A_854 = tpu.vector_load %arg11[%swap3A_852, %swap3A_853] {strides = array<i32>} : memref<128x128xf32, #tpu.memory_space<vmem>>, vector<1x16xf32>,
        %swap3A_855 = vector.shape_cast %swap3A_854 : vector<1x16xf32> to vector<16xf32>
        %swap3A_856 = vector.shape_cast %mul3A_851 : vector<16xf32> to vector<1x16xf32>
        tpu.vector_store %arg11[%swap3A_852, %swap3A_853], %swap3A_856 {strides = array<i32>} : memref<128x128xf32, #tpu.memory_space<vmem>>, vector<1x16xf32>,
        %get3A_857 = arith.index_cast %add3A_806 : i32 to index
        %get3A_858 = arith.constant 80 : index
        %get3A_859 = tpu.vector_load %arg11[%get3A_857, %get3A_858] {strides = array<i32>} : memref<128x128xf32, #tpu.memory_space<vmem>>, vector<1x16xf32>,
        %get3A_860 = vector.shape_cast %get3A_859 : vector<1x16xf32> to vector<16xf32>
        %mul3A_861 = arith.mulf %get3A_860, %gather3A_802 : vector<16xf32>
        %swap3A_862 = arith.index_cast %add3A_806 : i32 to index
        %swap3A_863 = arith.constant 80 : index
        %swap3A_864 = tpu.vector_load %arg11[%swap3A_862, %swap3A_863] {strides = array<i32>} : memref<128x128xf32, #tpu.memory_space<vmem>>, vector<1x16xf32>,
        %swap3A_865 = vector.shape_cast %swap3A_864 : vector<1x16xf32> to vector<16xf32>
        %swap3A_866 = vector.shape_cast %mul3A_861 : vector<16xf32> to vector<1x16xf32>
        tpu.vector_store %arg11[%swap3A_862, %swap3A_863], %swap3A_866 {strides = array<i32>} : memref<128x128xf32, #tpu.memory_space<vmem>>, vector<1x16xf32>,
        %get3A_867 = arith.index_cast %add3A_806 : i32 to index
        %get3A_868 = arith.constant 96 : index
        %get3A_869 = tpu.vector_load %arg11[%get3A_867, %get3A_868] {strides = array<i32>} : memref<128x128xf32, #tpu.memory_space<vmem>>, vector<1x16xf32>,
        %get3A_870 = vector.shape_cast %get3A_869 : vector<1x16xf32> to vector<16xf32>
        %mul3A_871 = arith.mulf %get3A_870, %gather3A_802 : vector<16xf32>
        %swap3A_872 = arith.index_cast %add3A_806 : i32 to index
        %swap3A_873 = arith.constant 96 : index
        %swap3A_874 = tpu.vector_load %arg11[%swap3A_872, %swap3A_873] {strides = array<i32>} : memref<128x128xf32, #tpu.memory_space<vmem>>, vector<1x16xf32>,
        %swap3A_875 = vector.shape_cast %swap3A_874 : vector<1x16xf32> to vector<16xf32>
        %swap3A_876 = vector.shape_cast %mul3A_871 : vector<16xf32> to vector<1x16xf32>
        tpu.vector_store %arg11[%swap3A_872, %swap3A_873], %swap3A_876 {strides = array<i32>} : memref<128x128xf32, #tpu.memory_space<vmem>>, vector<1x16xf32>,
        %get3A_877 = arith.index_cast %add3A_806 : i32 to index
        %get3A_878 = arith.constant 112 : index
        %get3A_879 = tpu.vector_load %arg11[%get3A_877, %get3A_878] {strides = array<i32>} : memref<128x128xf32, #tpu.memory_space<vmem>>, vector<1x16xf32>,
        %get3A_880 = vector.shape_cast %get3A_879 : vector<1x16xf32> to vector<16xf32>
        %mul3A_881 = arith.mulf %get3A_880, %gather3A_802 : vector<16xf32>
        %swap3A_882 = arith.index_cast %add3A_806 : i32 to index
        %swap3A_883 = arith.constant 112 : index
        %swap3A_884 = tpu.vector_load %arg11[%swap3A_882, %swap3A_883] {strides = array<i32>} : memref<128x128xf32, #tpu.memory_space<vmem>>, vector<1x16xf32>,
        %swap3A_885 = vector.shape_cast %swap3A_884 : vector<1x16xf32> to vector<16xf32>
        %swap3A_886 = vector.shape_cast %mul3A_881 : vector<16xf32> to vector<1x16xf32>
        tpu.vector_store %arg11[%swap3A_882, %swap3A_883], %swap3A_886 {strides = array<i32>} : memref<128x128xf32, #tpu.memory_space<vmem>>, vector<1x16xf32>,
        %broadcast_in_dim3A_887 = arith.constant 9 : i32
        %broadcast_in_dim3A_888 = vector.broadcast %broadcast_in_dim3A_887 : i32 to vector<16xi32>
        %lt3A_889 = arith.constant 0 : i32
        %lt3A_890 = vector.broadcast %lt3A_889 : i32 to vector<16xi32>
        %lt3A_891 = arith.cmpi slt, %broadcast_in_dim3A_888, %lt3A_890 : vector<16xi32>
        %add3A_892 = arith.constant 16 : i32
        %add3A_893 = vector.broadcast %add3A_892 : i32 to vector<16xi32>
        %add3A_894 = arith.addi %broadcast_in_dim3A_888, %add3A_893 : vector<16xi32>
        %select_n3A_895 = arith.select %lt3A_891, %add3A_894, %broadcast_in_dim3A_888 : vector<16xi1>, vector<16xi32>
        %broadcast_in_dim3A_896 = vector.shape_cast %select_n3A_895 : vector<16xi32> to vector<16x1xi32>
        %gather3A_897 = vector.shape_cast %broadcast_in_dim3A_896 : vector<16x1xi32> to vector<16xi32>
        %gather3A_898 = tpu.dynamic_gather %get3A_27[%gather3A_897] in [0] : vector<16xf32>, vector<16xi32> -> vector<16xf32>
        %mul3A_899 = arith.constant 16 : i32
        %mul3A_900 = arith.muli %scan3A_22, %mul3A_899 : i32
        %add3A_901 = arith.constant 9 : i32
        %add3A_902 = arith.addi %mul3A_900, %add3A_901 : i32
        %get3A_903 = arith.index_cast %add3A_902 : i32 to index
        %get3A_904 = arith.constant 0 : index
        %get3A_905 = tpu.vector_load %arg11[%get3A_903, %get3A_904] {strides = array<i32>} : memref<128x128xf32, #tpu.memory_space<vmem>>, vector<1x16xf32>,
        %get3A_906 = vector.shape_cast %get3A_905 : vector<1x16xf32> to vector<16xf32>
        %mul3A_907 = arith.mulf %get3A_906, %gather3A_898 : vector<16xf32>
        %swap3A_908 = arith.index_cast %add3A_902 : i32 to index
        %swap3A_909 = arith.constant 0 : index
        %swap3A_910 = tpu.vector_load %arg11[%swap3A_908, %swap3A_909] {strides = array<i32>} : memref<128x128xf32, #tpu.memory_space<vmem>>, vector<1x16xf32>,
        %swap3A_911 = vector.shape_cast %swap3A_910 : vector<1x16xf32> to vector<16xf32>
        %swap3A_912 = vector.shape_cast %mul3A_907 : vector<16xf32> to vector<1x16xf32>
        tpu.vector_store %arg11[%swap3A_908, %swap3A_909], %swap3A_912 {strides = array<i32>} : memref<128x128xf32, #tpu.memory_space<vmem>>, vector<1x16xf32>,
        %get3A_913 = arith.index_cast %add3A_902 : i32 to index
        %get3A_914 = arith.constant 16 : index
        %get3A_915 = tpu.vector_load %arg11[%get3A_913, %get3A_914] {strides = array<i32>} : memref<128x128xf32, #tpu.memory_space<vmem>>, vector<1x16xf32>,
        %get3A_916 = vector.shape_cast %get3A_915 : vector<1x16xf32> to vector<16xf32>
        %mul3A_917 = arith.mulf %get3A_916, %gather3A_898 : vector<16xf32>
        %swap3A_918 = arith.index_cast %add3A_902 : i32 to index
        %swap3A_919 = arith.constant 16 : index
        %swap3A_920 = tpu.vector_load %arg11[%swap3A_918, %swap3A_919] {strides = array<i32>} : memref<128x128xf32, #tpu.memory_space<vmem>>, vector<1x16xf32>,
        %swap3A_921 = vector.shape_cast %swap3A_920 : vector<1x16xf32> to vector<16xf32>
        %swap3A_922 = vector.shape_cast %mul3A_917 : vector<16xf32> to vector<1x16xf32>
        tpu.vector_store %arg11[%swap3A_918, %swap3A_919], %swap3A_922 {strides = array<i32>} : memref<128x128xf32, #tpu.memory_space<vmem>>, vector<1x16xf32>,
        %get3A_923 = arith.index_cast %add3A_902 : i32 to index
        %get3A_924 = arith.constant 32 : index
        %get3A_925 = tpu.vector_load %arg11[%get3A_923, %get3A_924] {strides = array<i32>} : memref<128x128xf32, #tpu.memory_space<vmem>>, vector<1x16xf32>,
        %get3A_926 = vector.shape_cast %get3A_925 : vector<1x16xf32> to vector<16xf32>
        %mul3A_927 = arith.mulf %get3A_926, %gather3A_898 : vector<16xf32>
        %swap3A_928 = arith.index_cast %add3A_902 : i32 to index
        %swap3A_929 = arith.constant 32 : index
        %swap3A_930 = tpu.vector_load %arg11[%swap3A_928, %swap3A_929] {strides = array<i32>} : memref<128x128xf32, #tpu.memory_space<vmem>>, vector<1x16xf32>,
        %swap3A_931 = vector.shape_cast %swap3A_930 : vector<1x16xf32> to vector<16xf32>
        %swap3A_932 = vector.shape_cast %mul3A_927 : vector<16xf32> to vector<1x16xf32>
        tpu.vector_store %arg11[%swap3A_928, %swap3A_929], %swap3A_932 {strides = array<i32>} : memref<128x128xf32, #tpu.memory_space<vmem>>, vector<1x16xf32>,
        %get3A_933 = arith.index_cast %add3A_902 : i32 to index
        %get3A_934 = arith.constant 48 : index
        %get3A_935 = tpu.vector_load %arg11[%get3A_933, %get3A_934] {strides = array<i32>} : memref<128x128xf32, #tpu.memory_space<vmem>>, vector<1x16xf32>,
        %get3A_936 = vector.shape_cast %get3A_935 : vector<1x16xf32> to vector<16xf32>
        %mul3A_937 = arith.mulf %get3A_936, %gather3A_898 : vector<16xf32>
        %swap3A_938 = arith.index_cast %add3A_902 : i32 to index
        %swap3A_939 = arith.constant 48 : index
        %swap3A_940 = tpu.vector_load %arg11[%swap3A_938, %swap3A_939] {strides = array<i32>} : memref<128x128xf32, #tpu.memory_space<vmem>>, vector<1x16xf32>,
        %swap3A_941 = vector.shape_cast %swap3A_940 : vector<1x16xf32> to vector<16xf32>
        %swap3A_942 = vector.shape_cast %mul3A_937 : vector<16xf32> to vector<1x16xf32>
        tpu.vector_store %arg11[%swap3A_938, %swap3A_939], %swap3A_942 {strides = array<i32>} : memref<128x128xf32, #tpu.memory_space<vmem>>, vector<1x16xf32>,
        %get3A_943 = arith.index_cast %add3A_902 : i32 to index
        %get3A_944 = arith.constant 64 : index
        %get3A_945 = tpu.vector_load %arg11[%get3A_943, %get3A_944] {strides = array<i32>} : memref<128x128xf32, #tpu.memory_space<vmem>>, vector<1x16xf32>,
        %get3A_946 = vector.shape_cast %get3A_945 : vector<1x16xf32> to vector<16xf32>
        %mul3A_947 = arith.mulf %get3A_946, %gather3A_898 : vector<16xf32>
        %swap3A_948 = arith.index_cast %add3A_902 : i32 to index
        %swap3A_949 = arith.constant 64 : index
        %swap3A_950 = tpu.vector_load %arg11[%swap3A_948, %swap3A_949] {strides = array<i32>} : memref<128x128xf32, #tpu.memory_space<vmem>>, vector<1x16xf32>,
        %swap3A_951 = vector.shape_cast %swap3A_950 : vector<1x16xf32> to vector<16xf32>
        %swap3A_952 = vector.shape_cast %mul3A_947 : vector<16xf32> to vector<1x16xf32>
        tpu.vector_store %arg11[%swap3A_948, %swap3A_949], %swap3A_952 {strides = array<i32>} : memref<128x128xf32, #tpu.memory_space<vmem>>, vector<1x16xf32>,
        %get3A_953 = arith.index_cast %add3A_902 : i32 to index
        %get3A_954 = arith.constant 80 : index
        %get3A_955 = tpu.vector_load %arg11[%get3A_953, %get3A_954] {strides = array<i32>} : memref<128x128xf32, #tpu.memory_space<vmem>>, vector<1x16xf32>,
        %get3A_956 = vector.shape_cast %get3A_955 : vector<1x16xf32> to vector<16xf32>
        %mul3A_957 = arith.mulf %get3A_956, %gather3A_898 : vector<16xf32>
        %swap3A_958 = arith.index_cast %add3A_902 : i32 to index
        %swap3A_959 = arith.constant 80 : index
        %swap3A_960 = tpu.vector_load %arg11[%swap3A_958, %swap3A_959] {strides = array<i32>} : memref<128x128xf32, #tpu.memory_space<vmem>>, vector<1x16xf32>,
        %swap3A_961 = vector.shape_cast %swap3A_960 : vector<1x16xf32> to vector<16xf32>
        %swap3A_962 = vector.shape_cast %mul3A_957 : vector<16xf32> to vector<1x16xf32>
        tpu.vector_store %arg11[%swap3A_958, %swap3A_959], %swap3A_962 {strides = array<i32>} : memref<128x128xf32, #tpu.memory_space<vmem>>, vector<1x16xf32>,
        %get3A_963 = arith.index_cast %add3A_902 : i32 to index
        %get3A_964 = arith.constant 96 : index
        %get3A_965 = tpu.vector_load %arg11[%get3A_963, %get3A_964] {strides = array<i32>} : memref<128x128xf32, #tpu.memory_space<vmem>>, vector<1x16xf32>,
        %get3A_966 = vector.shape_cast %get3A_965 : vector<1x16xf32> to vector<16xf32>
        %mul3A_967 = arith.mulf %get3A_966, %gather3A_898 : vector<16xf32>
        %swap3A_968 = arith.index_cast %add3A_902 : i32 to index
        %swap3A_969 = arith.constant 96 : index
        %swap3A_970 = tpu.vector_load %arg11[%swap3A_968, %swap3A_969] {strides = array<i32>} : memref<128x128xf32, #tpu.memory_space<vmem>>, vector<1x16xf32>,
        %swap3A_971 = vector.shape_cast %swap3A_970 : vector<1x16xf32> to vector<16xf32>
        %swap3A_972 = vector.shape_cast %mul3A_967 : vector<16xf32> to vector<1x16xf32>
        tpu.vector_store %arg11[%swap3A_968, %swap3A_969], %swap3A_972 {strides = array<i32>} : memref<128x128xf32, #tpu.memory_space<vmem>>, vector<1x16xf32>,
        %get3A_973 = arith.index_cast %add3A_902 : i32 to index
        %get3A_974 = arith.constant 112 : index
        %get3A_975 = tpu.vector_load %arg11[%get3A_973, %get3A_974] {strides = array<i32>} : memref<128x128xf32, #tpu.memory_space<vmem>>, vector<1x16xf32>,
        %get3A_976 = vector.shape_cast %get3A_975 : vector<1x16xf32> to vector<16xf32>
        %mul3A_977 = arith.mulf %get3A_976, %gather3A_898 : vector<16xf32>
        %swap3A_978 = arith.index_cast %add3A_902 : i32 to index
        %swap3A_979 = arith.constant 112 : index
        %swap3A_980 = tpu.vector_load %arg11[%swap3A_978, %swap3A_979] {strides = array<i32>} : memref<128x128xf32, #tpu.memory_space<vmem>>, vector<1x16xf32>,
        %swap3A_981 = vector.shape_cast %swap3A_980 : vector<1x16xf32> to vector<16xf32>
        %swap3A_982 = vector.shape_cast %mul3A_977 : vector<16xf32> to vector<1x16xf32>
        tpu.vector_store %arg11[%swap3A_978, %swap3A_979], %swap3A_982 {strides = array<i32>} : memref<128x128xf32, #tpu.memory_space<vmem>>, vector<1x16xf32>,
        %broadcast_in_dim3A_983 = arith.constant 10 : i32
        %broadcast_in_dim3A_984 = vector.broadcast %broadcast_in_dim3A_983 : i32 to vector<16xi32>
        %lt3A_985 = arith.constant 0 : i32
        %lt3A_986 = vector.broadcast %lt3A_985 : i32 to vector<16xi32>
        %lt3A_987 = arith.cmpi slt, %broadcast_in_dim3A_984, %lt3A_986 : vector<16xi32>
        %add3A_988 = arith.constant 16 : i32
        %add3A_989 = vector.broadcast %add3A_988 : i32 to vector<16xi32>
        %add3A_990 = arith.addi %broadcast_in_dim3A_984, %add3A_989 : vector<16xi32>
        %select_n3A_991 = arith.select %lt3A_987, %add3A_990, %broadcast_in_dim3A_984 : vector<16xi1>, vector<16xi32>
        %broadcast_in_dim3A_992 = vector.shape_cast %select_n3A_991 : vector<16xi32> to vector<16x1xi32>
        %gather3A_993 = vector.shape_cast %broadcast_in_dim3A_992 : vector<16x1xi32> to vector<16xi32>
        %gather3A_994 = tpu.dynamic_gather %get3A_27[%gather3A_993] in [0] : vector<16xf32>, vector<16xi32> -> vector<16xf32>
        %mul3A_995 = arith.constant 16 : i32
        %mul3A_996 = arith.muli %scan3A_22, %mul3A_995 : i32
        %add3A_997 = arith.constant 10 : i32
        %add3A_998 = arith.addi %mul3A_996, %add3A_997 : i32
        %get3A_999 = arith.index_cast %add3A_998 : i32 to index
        %get3A_1000 = arith.constant 0 : index
        %get3A_1001 = tpu.vector_load %arg11[%get3A_999, %get3A_1000] {strides = array<i32>} : memref<128x128xf32, #tpu.memory_space<vmem>>, vector<1x16xf32>,
        %get3A_1002 = vector.shape_cast %get3A_1001 : vector<1x16xf32> to vector<16xf32>
        %mul3A_1003 = arith.mulf %get3A_1002, %gather3A_994 : vector<16xf32>
        %swap3A_1004 = arith.index_cast %add3A_998 : i32 to index
        %swap3A_1005 = arith.constant 0 : index
        %swap3A_1006 = tpu.vector_load %arg11[%swap3A_1004, %swap3A_1005] {strides = array<i32>} : memref<128x128xf32, #tpu.memory_space<vmem>>, vector<1x16xf32>,
        %swap3A_1007 = vector.shape_cast %swap3A_1006 : vector<1x16xf32> to vector<16xf32>
        %swap3A_1008 = vector.shape_cast %mul3A_1003 : vector<16xf32> to vector<1x16xf32>
        tpu.vector_store %arg11[%swap3A_1004, %swap3A_1005], %swap3A_1008 {strides = array<i32>} : memref<128x128xf32, #tpu.memory_space<vmem>>, vector<1x16xf32>,
        %get3A_1009 = arith.index_cast %add3A_998 : i32 to index
        %get3A_1010 = arith.constant 16 : index
        %get3A_1011 = tpu.vector_load %arg11[%get3A_1009, %get3A_1010] {strides = array<i32>} : memref<128x128xf32, #tpu.memory_space<vmem>>, vector<1x16xf32>,
        %get3A_1012 = vector.shape_cast %get3A_1011 : vector<1x16xf32> to vector<16xf32>
        %mul3A_1013 = arith.mulf %get3A_1012, %gather3A_994 : vector<16xf32>
        %swap3A_1014 = arith.index_cast %add3A_998 : i32 to index
        %swap3A_1015 = arith.constant 16 : index
        %swap3A_1016 = tpu.vector_load %arg11[%swap3A_1014, %swap3A_1015] {strides = array<i32>} : memref<128x128xf32, #tpu.memory_space<vmem>>, vector<1x16xf32>,
        %swap3A_1017 = vector.shape_cast %swap3A_1016 : vector<1x16xf32> to vector<16xf32>
        %swap3A_1018 = vector.shape_cast %mul3A_1013 : vector<16xf32> to vector<1x16xf32>
        tpu.vector_store %arg11[%swap3A_1014, %swap3A_1015], %swap3A_1018 {strides = array<i32>} : memref<128x128xf32, #tpu.memory_space<vmem>>, vector<1x16xf32>,
        %get3A_1019 = arith.index_cast %add3A_998 : i32 to index
        %get3A_1020 = arith.constant 32 : index
        %get3A_1021 = tpu.vector_load %arg11[%get3A_1019, %get3A_1020] {strides = array<i32>} : memref<128x128xf32, #tpu.memory_space<vmem>>, vector<1x16xf32>,
        %get3A_1022 = vector.shape_cast %get3A_1021 : vector<1x16xf32> to vector<16xf32>
        %mul3A_1023 = arith.mulf %get3A_1022, %gather3A_994 : vector<16xf32>
        %swap3A_1024 = arith.index_cast %add3A_998 : i32 to index
        %swap3A_1025 = arith.constant 32 : index
        %swap3A_1026 = tpu.vector_load %arg11[%swap3A_1024, %swap3A_1025] {strides = array<i32>} : memref<128x128xf32, #tpu.memory_space<vmem>>, vector<1x16xf32>,
        %swap3A_1027 = vector.shape_cast %swap3A_1026 : vector<1x16xf32> to vector<16xf32>
        %swap3A_1028 = vector.shape_cast %mul3A_1023 : vector<16xf32> to vector<1x16xf32>
        tpu.vector_store %arg11[%swap3A_1024, %swap3A_1025], %swap3A_1028 {strides = array<i32>} : memref<128x128xf32, #tpu.memory_space<vmem>>, vector<1x16xf32>,
        %get3A_1029 = arith.index_cast %add3A_998 : i32 to index
        %get3A_1030 = arith.constant 48 : index
        %get3A_1031 = tpu.vector_load %arg11[%get3A_1029, %get3A_1030] {strides = array<i32>} : memref<128x128xf32, #tpu.memory_space<vmem>>, vector<1x16xf32>,
        %get3A_1032 = vector.shape_cast %get3A_1031 : vector<1x16xf32> to vector<16xf32>
        %mul3A_1033 = arith.mulf %get3A_1032, %gather3A_994 : vector<16xf32>
        %swap3A_1034 = arith.index_cast %add3A_998 : i32 to index
        %swap3A_1035 = arith.constant 48 : index
        %swap3A_1036 = tpu.vector_load %arg11[%swap3A_1034, %swap3A_1035] {strides = array<i32>} : memref<128x128xf32, #tpu.memory_space<vmem>>, vector<1x16xf32>,
        %swap3A_1037 = vector.shape_cast %swap3A_1036 : vector<1x16xf32> to vector<16xf32>
        %swap3A_1038 = vector.shape_cast %mul3A_1033 : vector<16xf32> to vector<1x16xf32>
        tpu.vector_store %arg11[%swap3A_1034, %swap3A_1035], %swap3A_1038 {strides = array<i32>} : memref<128x128xf32, #tpu.memory_space<vmem>>, vector<1x16xf32>,
        %get3A_1039 = arith.index_cast %add3A_998 : i32 to index
        %get3A_1040 = arith.constant 64 : index
        %get3A_1041 = tpu.vector_load %arg11[%get3A_1039, %get3A_1040] {strides = array<i32>} : memref<128x128xf32, #tpu.memory_space<vmem>>, vector<1x16xf32>,
        %get3A_1042 = vector.shape_cast %get3A_1041 : vector<1x16xf32> to vector<16xf32>
        %mul3A_1043 = arith.mulf %get3A_1042, %gather3A_994 : vector<16xf32>
        %swap3A_1044 = arith.index_cast %add3A_998 : i32 to index
        %swap3A_1045 = arith.constant 64 : index
        %swap3A_1046 = tpu.vector_load %arg11[%swap3A_1044, %swap3A_1045] {strides = array<i32>} : memref<128x128xf32, #tpu.memory_space<vmem>>, vector<1x16xf32>,
        %swap3A_1047 = vector.shape_cast %swap3A_1046 : vector<1x16xf32> to vector<16xf32>
        %swap3A_1048 = vector.shape_cast %mul3A_1043 : vector<16xf32> to vector<1x16xf32>
        tpu.vector_store %arg11[%swap3A_1044, %swap3A_1045], %swap3A_1048 {strides = array<i32>} : memref<128x128xf32, #tpu.memory_space<vmem>>, vector<1x16xf32>,
        %get3A_1049 = arith.index_cast %add3A_998 : i32 to index
        %get3A_1050 = arith.constant 80 : index
        %get3A_1051 = tpu.vector_load %arg11[%get3A_1049, %get3A_1050] {strides = array<i32>} : memref<128x128xf32, #tpu.memory_space<vmem>>, vector<1x16xf32>,
        %get3A_1052 = vector.shape_cast %get3A_1051 : vector<1x16xf32> to vector<16xf32>
        %mul3A_1053 = arith.mulf %get3A_1052, %gather3A_994 : vector<16xf32>
        %swap3A_1054 = arith.index_cast %add3A_998 : i32 to index
        %swap3A_1055 = arith.constant 80 : index
        %swap3A_1056 = tpu.vector_load %arg11[%swap3A_1054, %swap3A_1055] {strides = array<i32>} : memref<128x128xf32, #tpu.memory_space<vmem>>, vector<1x16xf32>,
        %swap3A_1057 = vector.shape_cast %swap3A_1056 : vector<1x16xf32> to vector<16xf32>
        %swap3A_1058 = vector.shape_cast %mul3A_1053 : vector<16xf32> to vector<1x16xf32>
        tpu.vector_store %arg11[%swap3A_1054, %swap3A_1055], %swap3A_1058 {strides = array<i32>} : memref<128x128xf32, #tpu.memory_space<vmem>>, vector<1x16xf32>,
        %get3A_1059 = arith.index_cast %add3A_998 : i32 to index
        %get3A_1060 = arith.constant 96 : index
        %get3A_1061 = tpu.vector_load %arg11[%get3A_1059, %get3A_1060] {strides = array<i32>} : memref<128x128xf32, #tpu.memory_space<vmem>>, vector<1x16xf32>,
        %get3A_1062 = vector.shape_cast %get3A_1061 : vector<1x16xf32> to vector<16xf32>
        %mul3A_1063 = arith.mulf %get3A_1062, %gather3A_994 : vector<16xf32>
        %swap3A_1064 = arith.index_cast %add3A_998 : i32 to index
        %swap3A_1065 = arith.constant 96 : index
        %swap3A_1066 = tpu.vector_load %arg11[%swap3A_1064, %swap3A_1065] {strides = array<i32>} : memref<128x128xf32, #tpu.memory_space<vmem>>, vector<1x16xf32>,
        %swap3A_1067 = vector.shape_cast %swap3A_1066 : vector<1x16xf32> to vector<16xf32>
        %swap3A_1068 = vector.shape_cast %mul3A_1063 : vector<16xf32> to vector<1x16xf32>
        tpu.vector_store %arg11[%swap3A_1064, %swap3A_1065], %swap3A_1068 {strides = array<i32>} : memref<128x128xf32, #tpu.memory_space<vmem>>, vector<1x16xf32>,
        %get3A_1069 = arith.index_cast %add3A_998 : i32 to index
        %get3A_1070 = arith.constant 112 : index
        %get3A_1071 = tpu.vector_load %arg11[%get3A_1069, %get3A_1070] {strides = array<i32>} : memref<128x128xf32, #tpu.memory_space<vmem>>, vector<1x16xf32>,
        %get3A_1072 = vector.shape_cast %get3A_1071 : vector<1x16xf32> to vector<16xf32>
        %mul3A_1073 = arith.mulf %get3A_1072, %gather3A_994 : vector<16xf32>
        %swap3A_1074 = arith.index_cast %add3A_998 : i32 to index
        %swap3A_1075 = arith.constant 112 : index
        %swap3A_1076 = tpu.vector_load %arg11[%swap3A_1074, %swap3A_1075] {strides = array<i32>} : memref<128x128xf32, #tpu.memory_space<vmem>>, vector<1x16xf32>,
        %swap3A_1077 = vector.shape_cast %swap3A_1076 : vector<1x16xf32> to vector<16xf32>
        %swap3A_1078 = vector.shape_cast %mul3A_1073 : vector<16xf32> to vector<1x16xf32>
        tpu.vector_store %arg11[%swap3A_1074, %swap3A_1075], %swap3A_1078 {strides = array<i32>} : memref<128x128xf32, #tpu.memory_space<vmem>>, vector<1x16xf32>,
        %broadcast_in_dim3A_1079 = arith.constant 11 : i32
        %broadcast_in_dim3A_1080 = vector.broadcast %broadcast_in_dim3A_1079 : i32 to vector<16xi32>
        %lt3A_1081 = arith.constant 0 : i32
        %lt3A_1082 = vector.broadcast %lt3A_1081 : i32 to vector<16xi32>
        %lt3A_1083 = arith.cmpi slt, %broadcast_in_dim3A_1080, %lt3A_1082 : vector<16xi32>
        %add3A_1084 = arith.constant 16 : i32
        %add3A_1085 = vector.broadcast %add3A_1084 : i32 to vector<16xi32>
        %add3A_1086 = arith.addi %broadcast_in_dim3A_1080, %add3A_1085 : vector<16xi32>
        %select_n3A_1087 = arith.select %lt3A_1083, %add3A_1086, %broadcast_in_dim3A_1080 : vector<16xi1>, vector<16xi32>
        %broadcast_in_dim3A_1088 = vector.shape_cast %select_n3A_1087 : vector<16xi32> to vector<16x1xi32>
        %gather3A_1089 = vector.shape_cast %broadcast_in_dim3A_1088 : vector<16x1xi32> to vector<16xi32>
        %gather3A_1090 = tpu.dynamic_gather %get3A_27[%gather3A_1089] in [0] : vector<16xf32>, vector<16xi32> -> vector<16xf32>
        %mul3A_1091 = arith.constant 16 : i32
        %mul3A_1092 = arith.muli %scan3A_22, %mul3A_1091 : i32
        %add3A_1093 = arith.constant 11 : i32
        %add3A_1094 = arith.addi %mul3A_1092, %add3A_1093 : i32
        %get3A_1095 = arith.index_cast %add3A_1094 : i32 to index
        %get3A_1096 = arith.constant 0 : index
        %get3A_1097 = tpu.vector_load %arg11[%get3A_1095, %get3A_1096] {strides = array<i32>} : memref<128x128xf32, #tpu.memory_space<vmem>>, vector<1x16xf32>,
        %get3A_1098 = vector.shape_cast %get3A_1097 : vector<1x16xf32> to vector<16xf32>
        %mul3A_1099 = arith.mulf %get3A_1098, %gather3A_1090 : vector<16xf32>
        %swap3A_1100 = arith.index_cast %add3A_1094 : i32 to index
        %swap3A_1101 = arith.constant 0 : index
        %swap3A_1102 = tpu.vector_load %arg11[%swap3A_1100, %swap3A_1101] {strides = array<i32>} : memref<128x128xf32, #tpu.memory_space<vmem>>, vector<1x16xf32>,
        %swap3A_1103 = vector.shape_cast %swap3A_1102 : vector<1x16xf32> to vector<16xf32>
        %swap3A_1104 = vector.shape_cast %mul3A_1099 : vector<16xf32> to vector<1x16xf32>
        tpu.vector_store %arg11[%swap3A_1100, %swap3A_1101], %swap3A_1104 {strides = array<i32>} : memref<128x128xf32, #tpu.memory_space<vmem>>, vector<1x16xf32>,
        %get3A_1105 = arith.index_cast %add3A_1094 : i32 to index
        %get3A_1106 = arith.constant 16 : index
        %get3A_1107 = tpu.vector_load %arg11[%get3A_1105, %get3A_1106] {strides = array<i32>} : memref<128x128xf32, #tpu.memory_space<vmem>>, vector<1x16xf32>,
        %get3A_1108 = vector.shape_cast %get3A_1107 : vector<1x16xf32> to vector<16xf32>
        %mul3A_1109 = arith.mulf %get3A_1108, %gather3A_1090 : vector<16xf32>
        %swap3A_1110 = arith.index_cast %add3A_1094 : i32 to index
        %swap3A_1111 = arith.constant 16 : index
        %swap3A_1112 = tpu.vector_load %arg11[%swap3A_1110, %swap3A_1111] {strides = array<i32>} : memref<128x128xf32, #tpu.memory_space<vmem>>, vector<1x16xf32>,
        %swap3A_1113 = vector.shape_cast %swap3A_1112 : vector<1x16xf32> to vector<16xf32>
        %swap3A_1114 = vector.shape_cast %mul3A_1109 : vector<16xf32> to vector<1x16xf32>
        tpu.vector_store %arg11[%swap3A_1110, %swap3A_1111], %swap3A_1114 {strides = array<i32>} : memref<128x128xf32, #tpu.memory_space<vmem>>, vector<1x16xf32>,
        %get3A_1115 = arith.index_cast %add3A_1094 : i32 to index
        %get3A_1116 = arith.constant 32 : index
        %get3A_1117 = tpu.vector_load %arg11[%get3A_1115, %get3A_1116] {strides = array<i32>} : memref<128x128xf32, #tpu.memory_space<vmem>>, vector<1x16xf32>,
        %get3A_1118 = vector.shape_cast %get3A_1117 : vector<1x16xf32> to vector<16xf32>
        %mul3A_1119 = arith.mulf %get3A_1118, %gather3A_1090 : vector<16xf32>
        %swap3A_1120 = arith.index_cast %add3A_1094 : i32 to index
        %swap3A_1121 = arith.constant 32 : index
        %swap3A_1122 = tpu.vector_load %arg11[%swap3A_1120, %swap3A_1121] {strides = array<i32>} : memref<128x128xf32, #tpu.memory_space<vmem>>, vector<1x16xf32>,
        %swap3A_1123 = vector.shape_cast %swap3A_1122 : vector<1x16xf32> to vector<16xf32>
        %swap3A_1124 = vector.shape_cast %mul3A_1119 : vector<16xf32> to vector<1x16xf32>
        tpu.vector_store %arg11[%swap3A_1120, %swap3A_1121], %swap3A_1124 {strides = array<i32>} : memref<128x128xf32, #tpu.memory_space<vmem>>, vector<1x16xf32>,
        %get3A_1125 = arith.index_cast %add3A_1094 : i32 to index
        %get3A_1126 = arith.constant 48 : index
        %get3A_1127 = tpu.vector_load %arg11[%get3A_1125, %get3A_1126] {strides = array<i32>} : memref<128x128xf32, #tpu.memory_space<vmem>>, vector<1x16xf32>,
        %get3A_1128 = vector.shape_cast %get3A_1127 : vector<1x16xf32> to vector<16xf32>
        %mul3A_1129 = arith.mulf %get3A_1128, %gather3A_1090 : vector<16xf32>
        %swap3A_1130 = arith.index_cast %add3A_1094 : i32 to index
        %swap3A_1131 = arith.constant 48 : index
        %swap3A_1132 = tpu.vector_load %arg11[%swap3A_1130, %swap3A_1131] {strides = array<i32>} : memref<128x128xf32, #tpu.memory_space<vmem>>, vector<1x16xf32>,
        %swap3A_1133 = vector.shape_cast %swap3A_1132 : vector<1x16xf32> to vector<16xf32>
        %swap3A_1134 = vector.shape_cast %mul3A_1129 : vector<16xf32> to vector<1x16xf32>
        tpu.vector_store %arg11[%swap3A_1130, %swap3A_1131], %swap3A_1134 {strides = array<i32>} : memref<128x128xf32, #tpu.memory_space<vmem>>, vector<1x16xf32>,
        %get3A_1135 = arith.index_cast %add3A_1094 : i32 to index
        %get3A_1136 = arith.constant 64 : index
        %get3A_1137 = tpu.vector_load %arg11[%get3A_1135, %get3A_1136] {strides = array<i32>} : memref<128x128xf32, #tpu.memory_space<vmem>>, vector<1x16xf32>,
        %get3A_1138 = vector.shape_cast %get3A_1137 : vector<1x16xf32> to vector<16xf32>
        %mul3A_1139 = arith.mulf %get3A_1138, %gather3A_1090 : vector<16xf32>
        %swap3A_1140 = arith.index_cast %add3A_1094 : i32 to index
        %swap3A_1141 = arith.constant 64 : index
        %swap3A_1142 = tpu.vector_load %arg11[%swap3A_1140, %swap3A_1141] {strides = array<i32>} : memref<128x128xf32, #tpu.memory_space<vmem>>, vector<1x16xf32>,
        %swap3A_1143 = vector.shape_cast %swap3A_1142 : vector<1x16xf32> to vector<16xf32>
        %swap3A_1144 = vector.shape_cast %mul3A_1139 : vector<16xf32> to vector<1x16xf32>
        tpu.vector_store %arg11[%swap3A_1140, %swap3A_1141], %swap3A_1144 {strides = array<i32>} : memref<128x128xf32, #tpu.memory_space<vmem>>, vector<1x16xf32>,
        %get3A_1145 = arith.index_cast %add3A_1094 : i32 to index
        %get3A_1146 = arith.constant 80 : index
        %get3A_1147 = tpu.vector_load %arg11[%get3A_1145, %get3A_1146] {strides = array<i32>} : memref<128x128xf32, #tpu.memory_space<vmem>>, vector<1x16xf32>,
        %get3A_1148 = vector.shape_cast %get3A_1147 : vector<1x16xf32> to vector<16xf32>
        %mul3A_1149 = arith.mulf %get3A_1148, %gather3A_1090 : vector<16xf32>
        %swap3A_1150 = arith.index_cast %add3A_1094 : i32 to index
        %swap3A_1151 = arith.constant 80 : index
        %swap3A_1152 = tpu.vector_load %arg11[%swap3A_1150, %swap3A_1151] {strides = array<i32>} : memref<128x128xf32, #tpu.memory_space<vmem>>, vector<1x16xf32>,
        %swap3A_1153 = vector.shape_cast %swap3A_1152 : vector<1x16xf32> to vector<16xf32>
        %swap3A_1154 = vector.shape_cast %mul3A_1149 : vector<16xf32> to vector<1x16xf32>
        tpu.vector_store %arg11[%swap3A_1150, %swap3A_1151], %swap3A_1154 {strides = array<i32>} : memref<128x128xf32, #tpu.memory_space<vmem>>, vector<1x16xf32>,
        %get3A_1155 = arith.index_cast %add3A_1094 : i32 to index
        %get3A_1156 = arith.constant 96 : index
        %get3A_1157 = tpu.vector_load %arg11[%get3A_1155, %get3A_1156] {strides = array<i32>} : memref<128x128xf32, #tpu.memory_space<vmem>>, vector<1x16xf32>,
        %get3A_1158 = vector.shape_cast %get3A_1157 : vector<1x16xf32> to vector<16xf32>
        %mul3A_1159 = arith.mulf %get3A_1158, %gather3A_1090 : vector<16xf32>
        %swap3A_1160 = arith.index_cast %add3A_1094 : i32 to index
        %swap3A_1161 = arith.constant 96 : index
        %swap3A_1162 = tpu.vector_load %arg11[%swap3A_1160, %swap3A_1161] {strides = array<i32>} : memref<128x128xf32, #tpu.memory_space<vmem>>, vector<1x16xf32>,
        %swap3A_1163 = vector.shape_cast %swap3A_1162 : vector<1x16xf32> to vector<16xf32>
        %swap3A_1164 = vector.shape_cast %mul3A_1159 : vector<16xf32> to vector<1x16xf32>
        tpu.vector_store %arg11[%swap3A_1160, %swap3A_1161], %swap3A_1164 {strides = array<i32>} : memref<128x128xf32, #tpu.memory_space<vmem>>, vector<1x16xf32>,
        %get3A_1165 = arith.index_cast %add3A_1094 : i32 to index
        %get3A_1166 = arith.constant 112 : index
        %get3A_1167 = tpu.vector_load %arg11[%get3A_1165, %get3A_1166] {strides = array<i32>} : memref<128x128xf32, #tpu.memory_space<vmem>>, vector<1x16xf32>,
        %get3A_1168 = vector.shape_cast %get3A_1167 : vector<1x16xf32> to vector<16xf32>
        %mul3A_1169 = arith.mulf %get3A_1168, %gather3A_1090 : vector<16xf32>
        %swap3A_1170 = arith.index_cast %add3A_1094 : i32 to index
        %swap3A_1171 = arith.constant 112 : index
        %swap3A_1172 = tpu.vector_load %arg11[%swap3A_1170, %swap3A_1171] {strides = array<i32>} : memref<128x128xf32, #tpu.memory_space<vmem>>, vector<1x16xf32>,
        %swap3A_1173 = vector.shape_cast %swap3A_1172 : vector<1x16xf32> to vector<16xf32>
        %swap3A_1174 = vector.shape_cast %mul3A_1169 : vector<16xf32> to vector<1x16xf32>
        tpu.vector_store %arg11[%swap3A_1170, %swap3A_1171], %swap3A_1174 {strides = array<i32>} : memref<128x128xf32, #tpu.memory_space<vmem>>, vector<1x16xf32>,
        %broadcast_in_dim3A_1175 = arith.constant 12 : i32
        %broadcast_in_dim3A_1176 = vector.broadcast %broadcast_in_dim3A_1175 : i32 to vector<16xi32>
        %lt3A_1177 = arith.constant 0 : i32
        %lt3A_1178 = vector.broadcast %lt3A_1177 : i32 to vector<16xi32>
        %lt3A_1179 = arith.cmpi slt, %broadcast_in_dim3A_1176, %lt3A_1178 : vector<16xi32>
        %add3A_1180 = arith.constant 16 : i32
        %add3A_1181 = vector.broadcast %add3A_1180 : i32 to vector<16xi32>
        %add3A_1182 = arith.addi %broadcast_in_dim3A_1176, %add3A_1181 : vector<16xi32>
        %select_n3A_1183 = arith.select %lt3A_1179, %add3A_1182, %broadcast_in_dim3A_1176 : vector<16xi1>, vector<16xi32>
        %broadcast_in_dim3A_1184 = vector.shape_cast %select_n3A_1183 : vector<16xi32> to vector<16x1xi32>
        %gather3A_1185 = vector.shape_cast %broadcast_in_dim3A_1184 : vector<16x1xi32> to vector<16xi32>
        %gather3A_1186 = tpu.dynamic_gather %get3A_27[%gather3A_1185] in [0] : vector<16xf32>, vector<16xi32> -> vector<16xf32>
        %mul3A_1187 = arith.constant 16 : i32
        %mul3A_1188 = arith.muli %scan3A_22, %mul3A_1187 : i32
        %add3A_1189 = arith.constant 12 : i32
        %add3A_1190 = arith.addi %mul3A_1188, %add3A_1189 : i32
        %get3A_1191 = arith.index_cast %add3A_1190 : i32 to index
        %get3A_1192 = arith.constant 0 : index
        %get3A_1193 = tpu.vector_load %arg11[%get3A_1191, %get3A_1192] {strides = array<i32>} : memref<128x128xf32, #tpu.memory_space<vmem>>, vector<1x16xf32>,
        %get3A_1194 = vector.shape_cast %get3A_1193 : vector<1x16xf32> to vector<16xf32>
        %mul3A_1195 = arith.mulf %get3A_1194, %gather3A_1186 : vector<16xf32>
        %swap3A_1196 = arith.index_cast %add3A_1190 : i32 to index
        %swap3A_1197 = arith.constant 0 : index
        %swap3A_1198 = tpu.vector_load %arg11[%swap3A_1196, %swap3A_1197] {strides = array<i32>} : memref<128x128xf32, #tpu.memory_space<vmem>>, vector<1x16xf32>,
        %swap3A_1199 = vector.shape_cast %swap3A_1198 : vector<1x16xf32> to vector<16xf32>
        %swap3A_1200 = vector.shape_cast %mul3A_1195 : vector<16xf32> to vector<1x16xf32>
        tpu.vector_store %arg11[%swap3A_1196, %swap3A_1197], %swap3A_1200 {strides = array<i32>} : memref<128x128xf32, #tpu.memory_space<vmem>>, vector<1x16xf32>,
        %get3A_1201 = arith.index_cast %add3A_1190 : i32 to index
        %get3A_1202 = arith.constant 16 : index
        %get3A_1203 = tpu.vector_load %arg11[%get3A_1201, %get3A_1202] {strides = array<i32>} : memref<128x128xf32, #tpu.memory_space<vmem>>, vector<1x16xf32>,
        %get3A_1204 = vector.shape_cast %get3A_1203 : vector<1x16xf32> to vector<16xf32>
        %mul3A_1205 = arith.mulf %get3A_1204, %gather3A_1186 : vector<16xf32>
        %swap3A_1206 = arith.index_cast %add3A_1190 : i32 to index
        %swap3A_1207 = arith.constant 16 : index
        %swap3A_1208 = tpu.vector_load %arg11[%swap3A_1206, %swap3A_1207] {strides = array<i32>} : memref<128x128xf32, #tpu.memory_space<vmem>>, vector<1x16xf32>,
        %swap3A_1209 = vector.shape_cast %swap3A_1208 : vector<1x16xf32> to vector<16xf32>
        %swap3A_1210 = vector.shape_cast %mul3A_1205 : vector<16xf32> to vector<1x16xf32>
        tpu.vector_store %arg11[%swap3A_1206, %swap3A_1207], %swap3A_1210 {strides = array<i32>} : memref<128x128xf32, #tpu.memory_space<vmem>>, vector<1x16xf32>,
        %get3A_1211 = arith.index_cast %add3A_1190 : i32 to index
        %get3A_1212 = arith.constant 32 : index
        %get3A_1213 = tpu.vector_load %arg11[%get3A_1211, %get3A_1212] {strides = array<i32>} : memref<128x128xf32, #tpu.memory_space<vmem>>, vector<1x16xf32>,
        %get3A_1214 = vector.shape_cast %get3A_1213 : vector<1x16xf32> to vector<16xf32>
        %mul3A_1215 = arith.mulf %get3A_1214, %gather3A_1186 : vector<16xf32>
        %swap3A_1216 = arith.index_cast %add3A_1190 : i32 to index
        %swap3A_1217 = arith.constant 32 : index
        %swap3A_1218 = tpu.vector_load %arg11[%swap3A_1216, %swap3A_1217] {strides = array<i32>} : memref<128x128xf32, #tpu.memory_space<vmem>>, vector<1x16xf32>,
        %swap3A_1219 = vector.shape_cast %swap3A_1218 : vector<1x16xf32> to vector<16xf32>
        %swap3A_1220 = vector.shape_cast %mul3A_1215 : vector<16xf32> to vector<1x16xf32>
        tpu.vector_store %arg11[%swap3A_1216, %swap3A_1217], %swap3A_1220 {strides = array<i32>} : memref<128x128xf32, #tpu.memory_space<vmem>>, vector<1x16xf32>,
        %get3A_1221 = arith.index_cast %add3A_1190 : i32 to index
        %get3A_1222 = arith.constant 48 : index
        %get3A_1223 = tpu.vector_load %arg11[%get3A_1221, %get3A_1222] {strides = array<i32>} : memref<128x128xf32, #tpu.memory_space<vmem>>, vector<1x16xf32>,
        %get3A_1224 = vector.shape_cast %get3A_1223 : vector<1x16xf32> to vector<16xf32>
        %mul3A_1225 = arith.mulf %get3A_1224, %gather3A_1186 : vector<16xf32>
        %swap3A_1226 = arith.index_cast %add3A_1190 : i32 to index
        %swap3A_1227 = arith.constant 48 : index
        %swap3A_1228 = tpu.vector_load %arg11[%swap3A_1226, %swap3A_1227] {strides = array<i32>} : memref<128x128xf32, #tpu.memory_space<vmem>>, vector<1x16xf32>,
        %swap3A_1229 = vector.shape_cast %swap3A_1228 : vector<1x16xf32> to vector<16xf32>
        %swap3A_1230 = vector.shape_cast %mul3A_1225 : vector<16xf32> to vector<1x16xf32>
        tpu.vector_store %arg11[%swap3A_1226, %swap3A_1227], %swap3A_1230 {strides = array<i32>} : memref<128x128xf32, #tpu.memory_space<vmem>>, vector<1x16xf32>,
        %get3A_1231 = arith.index_cast %add3A_1190 : i32 to index
        %get3A_1232 = arith.constant 64 : index
        %get3A_1233 = tpu.vector_load %arg11[%get3A_1231, %get3A_1232] {strides = array<i32>} : memref<128x128xf32, #tpu.memory_space<vmem>>, vector<1x16xf32>,
        %get3A_1234 = vector.shape_cast %get3A_1233 : vector<1x16xf32> to vector<16xf32>
        %mul3A_1235 = arith.mulf %get3A_1234, %gather3A_1186 : vector<16xf32>
        %swap3A_1236 = arith.index_cast %add3A_1190 : i32 to index
        %swap3A_1237 = arith.constant 64 : index
        %swap3A_1238 = tpu.vector_load %arg11[%swap3A_1236, %swap3A_1237] {strides = array<i32>} : memref<128x128xf32, #tpu.memory_space<vmem>>, vector<1x16xf32>,
        %swap3A_1239 = vector.shape_cast %swap3A_1238 : vector<1x16xf32> to vector<16xf32>
        %swap3A_1240 = vector.shape_cast %mul3A_1235 : vector<16xf32> to vector<1x16xf32>
        tpu.vector_store %arg11[%swap3A_1236, %swap3A_1237], %swap3A_1240 {strides = array<i32>} : memref<128x128xf32, #tpu.memory_space<vmem>>, vector<1x16xf32>,
        %get3A_1241 = arith.index_cast %add3A_1190 : i32 to index
        %get3A_1242 = arith.constant 80 : index
        %get3A_1243 = tpu.vector_load %arg11[%get3A_1241, %get3A_1242] {strides = array<i32>} : memref<128x128xf32, #tpu.memory_space<vmem>>, vector<1x16xf32>,
        %get3A_1244 = vector.shape_cast %get3A_1243 : vector<1x16xf32> to vector<16xf32>
        %mul3A_1245 = arith.mulf %get3A_1244, %gather3A_1186 : vector<16xf32>
        %swap3A_1246 = arith.index_cast %add3A_1190 : i32 to index
        %swap3A_1247 = arith.constant 80 : index
        %swap3A_1248 = tpu.vector_load %arg11[%swap3A_1246, %swap3A_1247] {strides = array<i32>} : memref<128x128xf32, #tpu.memory_space<vmem>>, vector<1x16xf32>,
        %swap3A_1249 = vector.shape_cast %swap3A_1248 : vector<1x16xf32> to vector<16xf32>
        %swap3A_1250 = vector.shape_cast %mul3A_1245 : vector<16xf32> to vector<1x16xf32>
        tpu.vector_store %arg11[%swap3A_1246, %swap3A_1247], %swap3A_1250 {strides = array<i32>} : memref<128x128xf32, #tpu.memory_space<vmem>>, vector<1x16xf32>,
        %get3A_1251 = arith.index_cast %add3A_1190 : i32 to index
        %get3A_1252 = arith.constant 96 : index
        %get3A_1253 = tpu.vector_load %arg11[%get3A_1251, %get3A_1252] {strides = array<i32>} : memref<128x128xf32, #tpu.memory_space<vmem>>, vector<1x16xf32>,
        %get3A_1254 = vector.shape_cast %get3A_1253 : vector<1x16xf32> to vector<16xf32>
        %mul3A_1255 = arith.mulf %get3A_1254, %gather3A_1186 : vector<16xf32>
        %swap3A_1256 = arith.index_cast %add3A_1190 : i32 to index
        %swap3A_1257 = arith.constant 96 : index
        %swap3A_1258 = tpu.vector_load %arg11[%swap3A_1256, %swap3A_1257] {strides = array<i32>} : memref<128x128xf32, #tpu.memory_space<vmem>>, vector<1x16xf32>,
        %swap3A_1259 = vector.shape_cast %swap3A_1258 : vector<1x16xf32> to vector<16xf32>
        %swap3A_1260 = vector.shape_cast %mul3A_1255 : vector<16xf32> to vector<1x16xf32>
        tpu.vector_store %arg11[%swap3A_1256, %swap3A_1257], %swap3A_1260 {strides = array<i32>} : memref<128x128xf32, #tpu.memory_space<vmem>>, vector<1x16xf32>,
        %get3A_1261 = arith.index_cast %add3A_1190 : i32 to index
        %get3A_1262 = arith.constant 112 : index
        %get3A_1263 = tpu.vector_load %arg11[%get3A_1261, %get3A_1262] {strides = array<i32>} : memref<128x128xf32, #tpu.memory_space<vmem>>, vector<1x16xf32>,
        %get3A_1264 = vector.shape_cast %get3A_1263 : vector<1x16xf32> to vector<16xf32>
        %mul3A_1265 = arith.mulf %get3A_1264, %gather3A_1186 : vector<16xf32>
        %swap3A_1266 = arith.index_cast %add3A_1190 : i32 to index
        %swap3A_1267 = arith.constant 112 : index
        %swap3A_1268 = tpu.vector_load %arg11[%swap3A_1266, %swap3A_1267] {strides = array<i32>} : memref<128x128xf32, #tpu.memory_space<vmem>>, vector<1x16xf32>,
        %swap3A_1269 = vector.shape_cast %swap3A_1268 : vector<1x16xf32> to vector<16xf32>
        %swap3A_1270 = vector.shape_cast %mul3A_1265 : vector<16xf32> to vector<1x16xf32>
        tpu.vector_store %arg11[%swap3A_1266, %swap3A_1267], %swap3A_1270 {strides = array<i32>} : memref<128x128xf32, #tpu.memory_space<vmem>>, vector<1x16xf32>,
        %broadcast_in_dim3A_1271 = arith.constant 13 : i32
        %broadcast_in_dim3A_1272 = vector.broadcast %broadcast_in_dim3A_1271 : i32 to vector<16xi32>
        %lt3A_1273 = arith.constant 0 : i32
        %lt3A_1274 = vector.broadcast %lt3A_1273 : i32 to vector<16xi32>
        %lt3A_1275 = arith.cmpi slt, %broadcast_in_dim3A_1272, %lt3A_1274 : vector<16xi32>
        %add3A_1276 = arith.constant 16 : i32
        %add3A_1277 = vector.broadcast %add3A_1276 : i32 to vector<16xi32>
        %add3A_1278 = arith.addi %broadcast_in_dim3A_1272, %add3A_1277 : vector<16xi32>
        %select_n3A_1279 = arith.select %lt3A_1275, %add3A_1278, %broadcast_in_dim3A_1272 : vector<16xi1>, vector<16xi32>
        %broadcast_in_dim3A_1280 = vector.shape_cast %select_n3A_1279 : vector<16xi32> to vector<16x1xi32>
        %gather3A_1281 = vector.shape_cast %broadcast_in_dim3A_1280 : vector<16x1xi32> to vector<16xi32>
        %gather3A_1282 = tpu.dynamic_gather %get3A_27[%gather3A_1281] in [0] : vector<16xf32>, vector<16xi32> -> vector<16xf32>
        %mul3A_1283 = arith.constant 16 : i32
        %mul3A_1284 = arith.muli %scan3A_22, %mul3A_1283 : i32
        %add3A_1285 = arith.constant 13 : i32
        %add3A_1286 = arith.addi %mul3A_1284, %add3A_1285 : i32
        %get3A_1287 = arith.index_cast %add3A_1286 : i32 to index
        %get3A_1288 = arith.constant 0 : index
        %get3A_1289 = tpu.vector_load %arg11[%get3A_1287, %get3A_1288] {strides = array<i32>} : memref<128x128xf32, #tpu.memory_space<vmem>>, vector<1x16xf32>,
        %get3A_1290 = vector.shape_cast %get3A_1289 : vector<1x16xf32> to vector<16xf32>
        %mul3A_1291 = arith.mulf %get3A_1290, %gather3A_1282 : vector<16xf32>
        %swap3A_1292 = arith.index_cast %add3A_1286 : i32 to index
        %swap3A_1293 = arith.constant 0 : index
        %swap3A_1294 = tpu.vector_load %arg11[%swap3A_1292, %swap3A_1293] {strides = array<i32>} : memref<128x128xf32, #tpu.memory_space<vmem>>, vector<1x16xf32>,
        %swap3A_1295 = vector.shape_cast %swap3A_1294 : vector<1x16xf32> to vector<16xf32>
        %swap3A_1296 = vector.shape_cast %mul3A_1291 : vector<16xf32> to vector<1x16xf32>
        tpu.vector_store %arg11[%swap3A_1292, %swap3A_1293], %swap3A_1296 {strides = array<i32>} : memref<128x128xf32, #tpu.memory_space<vmem>>, vector<1x16xf32>,
        %get3A_1297 = arith.index_cast %add3A_1286 : i32 to index
        %get3A_1298 = arith.constant 16 : index
        %get3A_1299 = tpu.vector_load %arg11[%get3A_1297, %get3A_1298] {strides = array<i32>} : memref<128x128xf32, #tpu.memory_space<vmem>>, vector<1x16xf32>,
        %get3A_1300 = vector.shape_cast %get3A_1299 : vector<1x16xf32> to vector<16xf32>
        %mul3A_1301 = arith.mulf %get3A_1300, %gather3A_1282 : vector<16xf32>
        %swap3A_1302 = arith.index_cast %add3A_1286 : i32 to index
        %swap3A_1303 = arith.constant 16 : index
        %swap3A_1304 = tpu.vector_load %arg11[%swap3A_1302, %swap3A_1303] {strides = array<i32>} : memref<128x128xf32, #tpu.memory_space<vmem>>, vector<1x16xf32>,
        %swap3A_1305 = vector.shape_cast %swap3A_1304 : vector<1x16xf32> to vector<16xf32>
        %swap3A_1306 = vector.shape_cast %mul3A_1301 : vector<16xf32> to vector<1x16xf32>
        tpu.vector_store %arg11[%swap3A_1302, %swap3A_1303], %swap3A_1306 {strides = array<i32>} : memref<128x128xf32, #tpu.memory_space<vmem>>, vector<1x16xf32>,
        %get3A_1307 = arith.index_cast %add3A_1286 : i32 to index
        %get3A_1308 = arith.constant 32 : index
        %get3A_1309 = tpu.vector_load %arg11[%get3A_1307, %get3A_1308] {strides = array<i32>} : memref<128x128xf32, #tpu.memory_space<vmem>>, vector<1x16xf32>,
        %get3A_1310 = vector.shape_cast %get3A_1309 : vector<1x16xf32> to vector<16xf32>
        %mul3A_1311 = arith.mulf %get3A_1310, %gather3A_1282 : vector<16xf32>
        %swap3A_1312 = arith.index_cast %add3A_1286 : i32 to index
        %swap3A_1313 = arith.constant 32 : index
        %swap3A_1314 = tpu.vector_load %arg11[%swap3A_1312, %swap3A_1313] {strides = array<i32>} : memref<128x128xf32, #tpu.memory_space<vmem>>, vector<1x16xf32>,
        %swap3A_1315 = vector.shape_cast %swap3A_1314 : vector<1x16xf32> to vector<16xf32>
        %swap3A_1316 = vector.shape_cast %mul3A_1311 : vector<16xf32> to vector<1x16xf32>
        tpu.vector_store %arg11[%swap3A_1312, %swap3A_1313], %swap3A_1316 {strides = array<i32>} : memref<128x128xf32, #tpu.memory_space<vmem>>, vector<1x16xf32>,
        %get3A_1317 = arith.index_cast %add3A_1286 : i32 to index
        %get3A_1318 = arith.constant 48 : index
        %get3A_1319 = tpu.vector_load %arg11[%get3A_1317, %get3A_1318] {strides = array<i32>} : memref<128x128xf32, #tpu.memory_space<vmem>>, vector<1x16xf32>,
        %get3A_1320 = vector.shape_cast %get3A_1319 : vector<1x16xf32> to vector<16xf32>
        %mul3A_1321 = arith.mulf %get3A_1320, %gather3A_1282 : vector<16xf32>
        %swap3A_1322 = arith.index_cast %add3A_1286 : i32 to index
        %swap3A_1323 = arith.constant 48 : index
        %swap3A_1324 = tpu.vector_load %arg11[%swap3A_1322, %swap3A_1323] {strides = array<i32>} : memref<128x128xf32, #tpu.memory_space<vmem>>, vector<1x16xf32>,
        %swap3A_1325 = vector.shape_cast %swap3A_1324 : vector<1x16xf32> to vector<16xf32>
        %swap3A_1326 = vector.shape_cast %mul3A_1321 : vector<16xf32> to vector<1x16xf32>
        tpu.vector_store %arg11[%swap3A_1322, %swap3A_1323], %swap3A_1326 {strides = array<i32>} : memref<128x128xf32, #tpu.memory_space<vmem>>, vector<1x16xf32>,
        %get3A_1327 = arith.index_cast %add3A_1286 : i32 to index
        %get3A_1328 = arith.constant 64 : index
        %get3A_1329 = tpu.vector_load %arg11[%get3A_1327, %get3A_1328] {strides = array<i32>} : memref<128x128xf32, #tpu.memory_space<vmem>>, vector<1x16xf32>,
        %get3A_1330 = vector.shape_cast %get3A_1329 : vector<1x16xf32> to vector<16xf32>
        %mul3A_1331 = arith.mulf %get3A_1330, %gather3A_1282 : vector<16xf32>
        %swap3A_1332 = arith.index_cast %add3A_1286 : i32 to index
        %swap3A_1333 = arith.constant 64 : index
        %swap3A_1334 = tpu.vector_load %arg11[%swap3A_1332, %swap3A_1333] {strides = array<i32>} : memref<128x128xf32, #tpu.memory_space<vmem>>, vector<1x16xf32>,
        %swap3A_1335 = vector.shape_cast %swap3A_1334 : vector<1x16xf32> to vector<16xf32>
        %swap3A_1336 = vector.shape_cast %mul3A_1331 : vector<16xf32> to vector<1x16xf32>
        tpu.vector_store %arg11[%swap3A_1332, %swap3A_1333], %swap3A_1336 {strides = array<i32>} : memref<128x128xf32, #tpu.memory_space<vmem>>, vector<1x16xf32>,
        %get3A_1337 = arith.index_cast %add3A_1286 : i32 to index
        %get3A_1338 = arith.constant 80 : index
        %get3A_1339 = tpu.vector_load %arg11[%get3A_1337, %get3A_1338] {strides = array<i32>} : memref<128x128xf32, #tpu.memory_space<vmem>>, vector<1x16xf32>,
        %get3A_1340 = vector.shape_cast %get3A_1339 : vector<1x16xf32> to vector<16xf32>
        %mul3A_1341 = arith.mulf %get3A_1340, %gather3A_1282 : vector<16xf32>
        %swap3A_1342 = arith.index_cast %add3A_1286 : i32 to index
        %swap3A_1343 = arith.constant 80 : index
        %swap3A_1344 = tpu.vector_load %arg11[%swap3A_1342, %swap3A_1343] {strides = array<i32>} : memref<128x128xf32, #tpu.memory_space<vmem>>, vector<1x16xf32>,
        %swap3A_1345 = vector.shape_cast %swap3A_1344 : vector<1x16xf32> to vector<16xf32>
        %swap3A_1346 = vector.shape_cast %mul3A_1341 : vector<16xf32> to vector<1x16xf32>
        tpu.vector_store %arg11[%swap3A_1342, %swap3A_1343], %swap3A_1346 {strides = array<i32>} : memref<128x128xf32, #tpu.memory_space<vmem>>, vector<1x16xf32>,
        %get3A_1347 = arith.index_cast %add3A_1286 : i32 to index
        %get3A_1348 = arith.constant 96 : index
        %get3A_1349 = tpu.vector_load %arg11[%get3A_1347, %get3A_1348] {strides = array<i32>} : memref<128x128xf32, #tpu.memory_space<vmem>>, vector<1x16xf32>,
        %get3A_1350 = vector.shape_cast %get3A_1349 : vector<1x16xf32> to vector<16xf32>
        %mul3A_1351 = arith.mulf %get3A_1350, %gather3A_1282 : vector<16xf32>
        %swap3A_1352 = arith.index_cast %add3A_1286 : i32 to index
        %swap3A_1353 = arith.constant 96 : index
        %swap3A_1354 = tpu.vector_load %arg11[%swap3A_1352, %swap3A_1353] {strides = array<i32>} : memref<128x128xf32, #tpu.memory_space<vmem>>, vector<1x16xf32>,
        %swap3A_1355 = vector.shape_cast %swap3A_1354 : vector<1x16xf32> to vector<16xf32>
        %swap3A_1356 = vector.shape_cast %mul3A_1351 : vector<16xf32> to vector<1x16xf32>
        tpu.vector_store %arg11[%swap3A_1352, %swap3A_1353], %swap3A_1356 {strides = array<i32>} : memref<128x128xf32, #tpu.memory_space<vmem>>, vector<1x16xf32>,
        %get3A_1357 = arith.index_cast %add3A_1286 : i32 to index
        %get3A_1358 = arith.constant 112 : index
        %get3A_1359 = tpu.vector_load %arg11[%get3A_1357, %get3A_1358] {strides = array<i32>} : memref<128x128xf32, #tpu.memory_space<vmem>>, vector<1x16xf32>,
        %get3A_1360 = vector.shape_cast %get3A_1359 : vector<1x16xf32> to vector<16xf32>
        %mul3A_1361 = arith.mulf %get3A_1360, %gather3A_1282 : vector<16xf32>
        %swap3A_1362 = arith.index_cast %add3A_1286 : i32 to index
        %swap3A_1363 = arith.constant 112 : index
        %swap3A_1364 = tpu.vector_load %arg11[%swap3A_1362, %swap3A_1363] {strides = array<i32>} : memref<128x128xf32, #tpu.memory_space<vmem>>, vector<1x16xf32>,
        %swap3A_1365 = vector.shape_cast %swap3A_1364 : vector<1x16xf32> to vector<16xf32>
        %swap3A_1366 = vector.shape_cast %mul3A_1361 : vector<16xf32> to vector<1x16xf32>
        tpu.vector_store %arg11[%swap3A_1362, %swap3A_1363], %swap3A_1366 {strides = array<i32>} : memref<128x128xf32, #tpu.memory_space<vmem>>, vector<1x16xf32>,
        %broadcast_in_dim3A_1367 = arith.constant 14 : i32
        %broadcast_in_dim3A_1368 = vector.broadcast %broadcast_in_dim3A_1367 : i32 to vector<16xi32>
        %lt3A_1369 = arith.constant 0 : i32
        %lt3A_1370 = vector.broadcast %lt3A_1369 : i32 to vector<16xi32>
        %lt3A_1371 = arith.cmpi slt, %broadcast_in_dim3A_1368, %lt3A_1370 : vector<16xi32>
        %add3A_1372 = arith.constant 16 : i32
        %add3A_1373 = vector.broadcast %add3A_1372 : i32 to vector<16xi32>
        %add3A_1374 = arith.addi %broadcast_in_dim3A_1368, %add3A_1373 : vector<16xi32>
        %select_n3A_1375 = arith.select %lt3A_1371, %add3A_1374, %broadcast_in_dim3A_1368 : vector<16xi1>, vector<16xi32>
        %broadcast_in_dim3A_1376 = vector.shape_cast %select_n3A_1375 : vector<16xi32> to vector<16x1xi32>
        %gather3A_1377 = vector.shape_cast %broadcast_in_dim3A_1376 : vector<16x1xi32> to vector<16xi32>
        %gather3A_1378 = tpu.dynamic_gather %get3A_27[%gather3A_1377] in [0] : vector<16xf32>, vector<16xi32> -> vector<16xf32>
        %mul3A_1379 = arith.constant 16 : i32
        %mul3A_1380 = arith.muli %scan3A_22, %mul3A_1379 : i32
        %add3A_1381 = arith.constant 14 : i32
        %add3A_1382 = arith.addi %mul3A_1380, %add3A_1381 : i32
        %get3A_1383 = arith.index_cast %add3A_1382 : i32 to index
        %get3A_1384 = arith.constant 0 : index
        %get3A_1385 = tpu.vector_load %arg11[%get3A_1383, %get3A_1384] {strides = array<i32>} : memref<128x128xf32, #tpu.memory_space<vmem>>, vector<1x16xf32>,
        %get3A_1386 = vector.shape_cast %get3A_1385 : vector<1x16xf32> to vector<16xf32>
        %mul3A_1387 = arith.mulf %get3A_1386, %gather3A_1378 : vector<16xf32>
        %swap3A_1388 = arith.index_cast %add3A_1382 : i32 to index
        %swap3A_1389 = arith.constant 0 : index
        %swap3A_1390 = tpu.vector_load %arg11[%swap3A_1388, %swap3A_1389] {strides = array<i32>} : memref<128x128xf32, #tpu.memory_space<vmem>>, vector<1x16xf32>,
        %swap3A_1391 = vector.shape_cast %swap3A_1390 : vector<1x16xf32> to vector<16xf32>
        %swap3A_1392 = vector.shape_cast %mul3A_1387 : vector<16xf32> to vector<1x16xf32>
        tpu.vector_store %arg11[%swap3A_1388, %swap3A_1389], %swap3A_1392 {strides = array<i32>} : memref<128x128xf32, #tpu.memory_space<vmem>>, vector<1x16xf32>,
        %get3A_1393 = arith.index_cast %add3A_1382 : i32 to index
        %get3A_1394 = arith.constant 16 : index
        %get3A_1395 = tpu.vector_load %arg11[%get3A_1393, %get3A_1394] {strides = array<i32>} : memref<128x128xf32, #tpu.memory_space<vmem>>, vector<1x16xf32>,
        %get3A_1396 = vector.shape_cast %get3A_1395 : vector<1x16xf32> to vector<16xf32>
        %mul3A_1397 = arith.mulf %get3A_1396, %gather3A_1378 : vector<16xf32>
        %swap3A_1398 = arith.index_cast %add3A_1382 : i32 to index
        %swap3A_1399 = arith.constant 16 : index
        %swap3A_1400 = tpu.vector_load %arg11[%swap3A_1398, %swap3A_1399] {strides = array<i32>} : memref<128x128xf32, #tpu.memory_space<vmem>>, vector<1x16xf32>,
        %swap3A_1401 = vector.shape_cast %swap3A_1400 : vector<1x16xf32> to vector<16xf32>
        %swap3A_1402 = vector.shape_cast %mul3A_1397 : vector<16xf32> to vector<1x16xf32>
        tpu.vector_store %arg11[%swap3A_1398, %swap3A_1399], %swap3A_1402 {strides = array<i32>} : memref<128x128xf32, #tpu.memory_space<vmem>>, vector<1x16xf32>,
        %get3A_1403 = arith.index_cast %add3A_1382 : i32 to index
        %get3A_1404 = arith.constant 32 : index
        %get3A_1405 = tpu.vector_load %arg11[%get3A_1403, %get3A_1404] {strides = array<i32>} : memref<128x128xf32, #tpu.memory_space<vmem>>, vector<1x16xf32>,
        %get3A_1406 = vector.shape_cast %get3A_1405 : vector<1x16xf32> to vector<16xf32>
        %mul3A_1407 = arith.mulf %get3A_1406, %gather3A_1378 : vector<16xf32>
        %swap3A_1408 = arith.index_cast %add3A_1382 : i32 to index
        %swap3A_1409 = arith.constant 32 : index
        %swap3A_1410 = tpu.vector_load %arg11[%swap3A_1408, %swap3A_1409] {strides = array<i32>} : memref<128x128xf32, #tpu.memory_space<vmem>>, vector<1x16xf32>,
        %swap3A_1411 = vector.shape_cast %swap3A_1410 : vector<1x16xf32> to vector<16xf32>
        %swap3A_1412 = vector.shape_cast %mul3A_1407 : vector<16xf32> to vector<1x16xf32>
        tpu.vector_store %arg11[%swap3A_1408, %swap3A_1409], %swap3A_1412 {strides = array<i32>} : memref<128x128xf32, #tpu.memory_space<vmem>>, vector<1x16xf32>,
        %get3A_1413 = arith.index_cast %add3A_1382 : i32 to index
        %get3A_1414 = arith.constant 48 : index
        %get3A_1415 = tpu.vector_load %arg11[%get3A_1413, %get3A_1414] {strides = array<i32>} : memref<128x128xf32, #tpu.memory_space<vmem>>, vector<1x16xf32>,
        %get3A_1416 = vector.shape_cast %get3A_1415 : vector<1x16xf32> to vector<16xf32>
        %mul3A_1417 = arith.mulf %get3A_1416, %gather3A_1378 : vector<16xf32>
        %swap3A_1418 = arith.index_cast %add3A_1382 : i32 to index
        %swap3A_1419 = arith.constant 48 : index
        %swap3A_1420 = tpu.vector_load %arg11[%swap3A_1418, %swap3A_1419] {strides = array<i32>} : memref<128x128xf32, #tpu.memory_space<vmem>>, vector<1x16xf32>,
        %swap3A_1421 = vector.shape_cast %swap3A_1420 : vector<1x16xf32> to vector<16xf32>
        %swap3A_1422 = vector.shape_cast %mul3A_1417 : vector<16xf32> to vector<1x16xf32>
        tpu.vector_store %arg11[%swap3A_1418, %swap3A_1419], %swap3A_1422 {strides = array<i32>} : memref<128x128xf32, #tpu.memory_space<vmem>>, vector<1x16xf32>,
        %get3A_1423 = arith.index_cast %add3A_1382 : i32 to index
        %get3A_1424 = arith.constant 64 : index
        %get3A_1425 = tpu.vector_load %arg11[%get3A_1423, %get3A_1424] {strides = array<i32>} : memref<128x128xf32, #tpu.memory_space<vmem>>, vector<1x16xf32>,
        %get3A_1426 = vector.shape_cast %get3A_1425 : vector<1x16xf32> to vector<16xf32>
        %mul3A_1427 = arith.mulf %get3A_1426, %gather3A_1378 : vector<16xf32>
        %swap3A_1428 = arith.index_cast %add3A_1382 : i32 to index
        %swap3A_1429 = arith.constant 64 : index
        %swap3A_1430 = tpu.vector_load %arg11[%swap3A_1428, %swap3A_1429] {strides = array<i32>} : memref<128x128xf32, #tpu.memory_space<vmem>>, vector<1x16xf32>,
        %swap3A_1431 = vector.shape_cast %swap3A_1430 : vector<1x16xf32> to vector<16xf32>
        %swap3A_1432 = vector.shape_cast %mul3A_1427 : vector<16xf32> to vector<1x16xf32>
        tpu.vector_store %arg11[%swap3A_1428, %swap3A_1429], %swap3A_1432 {strides = array<i32>} : memref<128x128xf32, #tpu.memory_space<vmem>>, vector<1x16xf32>,
        %get3A_1433 = arith.index_cast %add3A_1382 : i32 to index
        %get3A_1434 = arith.constant 80 : index
        %get3A_1435 = tpu.vector_load %arg11[%get3A_1433, %get3A_1434] {strides = array<i32>} : memref<128x128xf32, #tpu.memory_space<vmem>>, vector<1x16xf32>,
        %get3A_1436 = vector.shape_cast %get3A_1435 : vector<1x16xf32> to vector<16xf32>
        %mul3A_1437 = arith.mulf %get3A_1436, %gather3A_1378 : vector<16xf32>
        %swap3A_1438 = arith.index_cast %add3A_1382 : i32 to index
        %swap3A_1439 = arith.constant 80 : index
        %swap3A_1440 = tpu.vector_load %arg11[%swap3A_1438, %swap3A_1439] {strides = array<i32>} : memref<128x128xf32, #tpu.memory_space<vmem>>, vector<1x16xf32>,
        %swap3A_1441 = vector.shape_cast %swap3A_1440 : vector<1x16xf32> to vector<16xf32>
        %swap3A_1442 = vector.shape_cast %mul3A_1437 : vector<16xf32> to vector<1x16xf32>
        tpu.vector_store %arg11[%swap3A_1438, %swap3A_1439], %swap3A_1442 {strides = array<i32>} : memref<128x128xf32, #tpu.memory_space<vmem>>, vector<1x16xf32>,
        %get3A_1443 = arith.index_cast %add3A_1382 : i32 to index
        %get3A_1444 = arith.constant 96 : index
        %get3A_1445 = tpu.vector_load %arg11[%get3A_1443, %get3A_1444] {strides = array<i32>} : memref<128x128xf32, #tpu.memory_space<vmem>>, vector<1x16xf32>,
        %get3A_1446 = vector.shape_cast %get3A_1445 : vector<1x16xf32> to vector<16xf32>
        %mul3A_1447 = arith.mulf %get3A_1446, %gather3A_1378 : vector<16xf32>
        %swap3A_1448 = arith.index_cast %add3A_1382 : i32 to index
        %swap3A_1449 = arith.constant 96 : index
        %swap3A_1450 = tpu.vector_load %arg11[%swap3A_1448, %swap3A_1449] {strides = array<i32>} : memref<128x128xf32, #tpu.memory_space<vmem>>, vector<1x16xf32>,
        %swap3A_1451 = vector.shape_cast %swap3A_1450 : vector<1x16xf32> to vector<16xf32>
        %swap3A_1452 = vector.shape_cast %mul3A_1447 : vector<16xf32> to vector<1x16xf32>
        tpu.vector_store %arg11[%swap3A_1448, %swap3A_1449], %swap3A_1452 {strides = array<i32>} : memref<128x128xf32, #tpu.memory_space<vmem>>, vector<1x16xf32>,
        %get3A_1453 = arith.index_cast %add3A_1382 : i32 to index
        %get3A_1454 = arith.constant 112 : index
        %get3A_1455 = tpu.vector_load %arg11[%get3A_1453, %get3A_1454] {strides = array<i32>} : memref<128x128xf32, #tpu.memory_space<vmem>>, vector<1x16xf32>,
        %get3A_1456 = vector.shape_cast %get3A_1455 : vector<1x16xf32> to vector<16xf32>
        %mul3A_1457 = arith.mulf %get3A_1456, %gather3A_1378 : vector<16xf32>
        %swap3A_1458 = arith.index_cast %add3A_1382 : i32 to index
        %swap3A_1459 = arith.constant 112 : index
        %swap3A_1460 = tpu.vector_load %arg11[%swap3A_1458, %swap3A_1459] {strides = array<i32>} : memref<128x128xf32, #tpu.memory_space<vmem>>, vector<1x16xf32>,
        %swap3A_1461 = vector.shape_cast %swap3A_1460 : vector<1x16xf32> to vector<16xf32>
        %swap3A_1462 = vector.shape_cast %mul3A_1457 : vector<16xf32> to vector<1x16xf32>
        tpu.vector_store %arg11[%swap3A_1458, %swap3A_1459], %swap3A_1462 {strides = array<i32>} : memref<128x128xf32, #tpu.memory_space<vmem>>, vector<1x16xf32>,
        %broadcast_in_dim3A_1463 = arith.constant 15 : i32
        %broadcast_in_dim3A_1464 = vector.broadcast %broadcast_in_dim3A_1463 : i32 to vector<16xi32>
        %lt3A_1465 = arith.constant 0 : i32
        %lt3A_1466 = vector.broadcast %lt3A_1465 : i32 to vector<16xi32>
        %lt3A_1467 = arith.cmpi slt, %broadcast_in_dim3A_1464, %lt3A_1466 : vector<16xi32>
        %add3A_1468 = arith.constant 16 : i32
        %add3A_1469 = vector.broadcast %add3A_1468 : i32 to vector<16xi32>
        %add3A_1470 = arith.addi %broadcast_in_dim3A_1464, %add3A_1469 : vector<16xi32>
        %select_n3A_1471 = arith.select %lt3A_1467, %add3A_1470, %broadcast_in_dim3A_1464 : vector<16xi1>, vector<16xi32>
        %broadcast_in_dim3A_1472 = vector.shape_cast %select_n3A_1471 : vector<16xi32> to vector<16x1xi32>
        %gather3A_1473 = vector.shape_cast %broadcast_in_dim3A_1472 : vector<16x1xi32> to vector<16xi32>
        %gather3A_1474 = tpu.dynamic_gather %get3A_27[%gather3A_1473] in [0] : vector<16xf32>, vector<16xi32> -> vector<16xf32>
        %mul3A_1475 = arith.constant 16 : i32
        %mul3A_1476 = arith.muli %scan3A_22, %mul3A_1475 : i32
        %add3A_1477 = arith.constant 15 : i32
        %add3A_1478 = arith.addi %mul3A_1476, %add3A_1477 : i32
        %get3A_1479 = arith.index_cast %add3A_1478 : i32 to index
        %get3A_1480 = arith.constant 0 : index
        %get3A_1481 = tpu.vector_load %arg11[%get3A_1479, %get3A_1480] {strides = array<i32>} : memref<128x128xf32, #tpu.memory_space<vmem>>, vector<1x16xf32>,
        %get3A_1482 = vector.shape_cast %get3A_1481 : vector<1x16xf32> to vector<16xf32>
        %mul3A_1483 = arith.mulf %get3A_1482, %gather3A_1474 : vector<16xf32>
        %swap3A_1484 = arith.index_cast %add3A_1478 : i32 to index
        %swap3A_1485 = arith.constant 0 : index
        %swap3A_1486 = tpu.vector_load %arg11[%swap3A_1484, %swap3A_1485] {strides = array<i32>} : memref<128x128xf32, #tpu.memory_space<vmem>>, vector<1x16xf32>,
        %swap3A_1487 = vector.shape_cast %swap3A_1486 : vector<1x16xf32> to vector<16xf32>
        %swap3A_1488 = vector.shape_cast %mul3A_1483 : vector<16xf32> to vector<1x16xf32>
        tpu.vector_store %arg11[%swap3A_1484, %swap3A_1485], %swap3A_1488 {strides = array<i32>} : memref<128x128xf32, #tpu.memory_space<vmem>>, vector<1x16xf32>,
        %get3A_1489 = arith.index_cast %add3A_1478 : i32 to index
        %get3A_1490 = arith.constant 16 : index
        %get3A_1491 = tpu.vector_load %arg11[%get3A_1489, %get3A_1490] {strides = array<i32>} : memref<128x128xf32, #tpu.memory_space<vmem>>, vector<1x16xf32>,
        %get3A_1492 = vector.shape_cast %get3A_1491 : vector<1x16xf32> to vector<16xf32>
        %mul3A_1493 = arith.mulf %get3A_1492, %gather3A_1474 : vector<16xf32>
        %swap3A_1494 = arith.index_cast %add3A_1478 : i32 to index
        %swap3A_1495 = arith.constant 16 : index
        %swap3A_1496 = tpu.vector_load %arg11[%swap3A_1494, %swap3A_1495] {strides = array<i32>} : memref<128x128xf32, #tpu.memory_space<vmem>>, vector<1x16xf32>,
        %swap3A_1497 = vector.shape_cast %swap3A_1496 : vector<1x16xf32> to vector<16xf32>
        %swap3A_1498 = vector.shape_cast %mul3A_1493 : vector<16xf32> to vector<1x16xf32>
        tpu.vector_store %arg11[%swap3A_1494, %swap3A_1495], %swap3A_1498 {strides = array<i32>} : memref<128x128xf32, #tpu.memory_space<vmem>>, vector<1x16xf32>,
        %get3A_1499 = arith.index_cast %add3A_1478 : i32 to index
        %get3A_1500 = arith.constant 32 : index
        %get3A_1501 = tpu.vector_load %arg11[%get3A_1499, %get3A_1500] {strides = array<i32>} : memref<128x128xf32, #tpu.memory_space<vmem>>, vector<1x16xf32>,
        %get3A_1502 = vector.shape_cast %get3A_1501 : vector<1x16xf32> to vector<16xf32>
        %mul3A_1503 = arith.mulf %get3A_1502, %gather3A_1474 : vector<16xf32>
        %swap3A_1504 = arith.index_cast %add3A_1478 : i32 to index
        %swap3A_1505 = arith.constant 32 : index
        %swap3A_1506 = tpu.vector_load %arg11[%swap3A_1504, %swap3A_1505] {strides = array<i32>} : memref<128x128xf32, #tpu.memory_space<vmem>>, vector<1x16xf32>,
        %swap3A_1507 = vector.shape_cast %swap3A_1506 : vector<1x16xf32> to vector<16xf32>
        %swap3A_1508 = vector.shape_cast %mul3A_1503 : vector<16xf32> to vector<1x16xf32>
        tpu.vector_store %arg11[%swap3A_1504, %swap3A_1505], %swap3A_1508 {strides = array<i32>} : memref<128x128xf32, #tpu.memory_space<vmem>>, vector<1x16xf32>,
        %get3A_1509 = arith.index_cast %add3A_1478 : i32 to index
        %get3A_1510 = arith.constant 48 : index
        %get3A_1511 = tpu.vector_load %arg11[%get3A_1509, %get3A_1510] {strides = array<i32>} : memref<128x128xf32, #tpu.memory_space<vmem>>, vector<1x16xf32>,
        %get3A_1512 = vector.shape_cast %get3A_1511 : vector<1x16xf32> to vector<16xf32>
        %mul3A_1513 = arith.mulf %get3A_1512, %gather3A_1474 : vector<16xf32>
        %swap3A_1514 = arith.index_cast %add3A_1478 : i32 to index
        %swap3A_1515 = arith.constant 48 : index
        %swap3A_1516 = tpu.vector_load %arg11[%swap3A_1514, %swap3A_1515] {strides = array<i32>} : memref<128x128xf32, #tpu.memory_space<vmem>>, vector<1x16xf32>,
        %swap3A_1517 = vector.shape_cast %swap3A_1516 : vector<1x16xf32> to vector<16xf32>
        %swap3A_1518 = vector.shape_cast %mul3A_1513 : vector<16xf32> to vector<1x16xf32>
        tpu.vector_store %arg11[%swap3A_1514, %swap3A_1515], %swap3A_1518 {strides = array<i32>} : memref<128x128xf32, #tpu.memory_space<vmem>>, vector<1x16xf32>,
        %get3A_1519 = arith.index_cast %add3A_1478 : i32 to index
        %get3A_1520 = arith.constant 64 : index
        %get3A_1521 = tpu.vector_load %arg11[%get3A_1519, %get3A_1520] {strides = array<i32>} : memref<128x128xf32, #tpu.memory_space<vmem>>, vector<1x16xf32>,
        %get3A_1522 = vector.shape_cast %get3A_1521 : vector<1x16xf32> to vector<16xf32>
        %mul3A_1523 = arith.mulf %get3A_1522, %gather3A_1474 : vector<16xf32>
        %swap3A_1524 = arith.index_cast %add3A_1478 : i32 to index
        %swap3A_1525 = arith.constant 64 : index
        %swap3A_1526 = tpu.vector_load %arg11[%swap3A_1524, %swap3A_1525] {strides = array<i32>} : memref<128x128xf32, #tpu.memory_space<vmem>>, vector<1x16xf32>,
        %swap3A_1527 = vector.shape_cast %swap3A_1526 : vector<1x16xf32> to vector<16xf32>
        %swap3A_1528 = vector.shape_cast %mul3A_1523 : vector<16xf32> to vector<1x16xf32>
        tpu.vector_store %arg11[%swap3A_1524, %swap3A_1525], %swap3A_1528 {strides = array<i32>} : memref<128x128xf32, #tpu.memory_space<vmem>>, vector<1x16xf32>,
        %get3A_1529 = arith.index_cast %add3A_1478 : i32 to index
        %get3A_1530 = arith.constant 80 : index
        %get3A_1531 = tpu.vector_load %arg11[%get3A_1529, %get3A_1530] {strides = array<i32>} : memref<128x128xf32, #tpu.memory_space<vmem>>, vector<1x16xf32>,
        %get3A_1532 = vector.shape_cast %get3A_1531 : vector<1x16xf32> to vector<16xf32>
        %mul3A_1533 = arith.mulf %get3A_1532, %gather3A_1474 : vector<16xf32>
        %swap3A_1534 = arith.index_cast %add3A_1478 : i32 to index
        %swap3A_1535 = arith.constant 80 : index
        %swap3A_1536 = tpu.vector_load %arg11[%swap3A_1534, %swap3A_1535] {strides = array<i32>} : memref<128x128xf32, #tpu.memory_space<vmem>>, vector<1x16xf32>,
        %swap3A_1537 = vector.shape_cast %swap3A_1536 : vector<1x16xf32> to vector<16xf32>
        %swap3A_1538 = vector.shape_cast %mul3A_1533 : vector<16xf32> to vector<1x16xf32>
        tpu.vector_store %arg11[%swap3A_1534, %swap3A_1535], %swap3A_1538 {strides = array<i32>} : memref<128x128xf32, #tpu.memory_space<vmem>>, vector<1x16xf32>,
        %get3A_1539 = arith.index_cast %add3A_1478 : i32 to index
        %get3A_1540 = arith.constant 96 : index
        %get3A_1541 = tpu.vector_load %arg11[%get3A_1539, %get3A_1540] {strides = array<i32>} : memref<128x128xf32, #tpu.memory_space<vmem>>, vector<1x16xf32>,
        %get3A_1542 = vector.shape_cast %get3A_1541 : vector<1x16xf32> to vector<16xf32>
        %mul3A_1543 = arith.mulf %get3A_1542, %gather3A_1474 : vector<16xf32>
        %swap3A_1544 = arith.index_cast %add3A_1478 : i32 to index
        %swap3A_1545 = arith.constant 96 : index
        %swap3A_1546 = tpu.vector_load %arg11[%swap3A_1544, %swap3A_1545] {strides = array<i32>} : memref<128x128xf32, #tpu.memory_space<vmem>>, vector<1x16xf32>,
        %swap3A_1547 = vector.shape_cast %swap3A_1546 : vector<1x16xf32> to vector<16xf32>
        %swap3A_1548 = vector.shape_cast %mul3A_1543 : vector<16xf32> to vector<1x16xf32>
        tpu.vector_store %arg11[%swap3A_1544, %swap3A_1545], %swap3A_1548 {strides = array<i32>} : memref<128x128xf32, #tpu.memory_space<vmem>>, vector<1x16xf32>,
        %get3A_1549 = arith.index_cast %add3A_1478 : i32 to index
        %get3A_1550 = arith.constant 112 : index
        %get3A_1551 = tpu.vector_load %arg11[%get3A_1549, %get3A_1550] {strides = array<i32>} : memref<128x128xf32, #tpu.memory_space<vmem>>, vector<1x16xf32>,
        %get3A_1552 = vector.shape_cast %get3A_1551 : vector<1x16xf32> to vector<16xf32>
        %mul3A_1553 = arith.mulf %get3A_1552, %gather3A_1474 : vector<16xf32>
        %swap3A_1554 = arith.index_cast %add3A_1478 : i32 to index
        %swap3A_1555 = arith.constant 112 : index
        %swap3A_1556 = tpu.vector_load %arg11[%swap3A_1554, %swap3A_1555] {strides = array<i32>} : memref<128x128xf32, #tpu.memory_space<vmem>>, vector<1x16xf32>,
        %swap3A_1557 = vector.shape_cast %swap3A_1556 : vector<1x16xf32> to vector<16xf32>
        %swap3A_1558 = vector.shape_cast %mul3A_1553 : vector<16xf32> to vector<1x16xf32>
        tpu.vector_store %arg11[%swap3A_1554, %swap3A_1555], %swap3A_1558 {strides = array<i32>} : memref<128x128xf32, #tpu.memory_space<vmem>>, vector<1x16xf32>,
      }
      %scan3A_21 = arith.constant 8 : i32
      "tpu.region"() ({
        %run_scoped3A = tpu.sem_alloc : memref<!tpu.dma_semaphore, #tpu.memory_space<semaphore_mem>>
        %dma_start3A = arith.constant 0 : i32
        %dma_start3A_22 = tpu.memref_slice %arg9[%scan3A_15, %dma_start3A] : memref<80x128xi32, #tpu.memory_space<vmem>> -> memref<1x128xi32, #tpu.memory_space<vmem>>
        %dma_start3A_23 = tpu.memref_squeeze %dma_start3A_22 : memref<1x128xi32, #tpu.memory_space<vmem>> -> memref<128xi32, #tpu.memory_space<vmem>>
        %dma_start3A_24 = arith.constant 0 : i32
        %dma_start3A_25 = arith.constant 0 : i32
        %dma_start3A_26 = tpu.memref_slice %arg12[%dma_start3A_24, %dma_start3A_25] : memref<10240x128xf32, #tpu.memory_space<vmem_shared>> -> memref<10240x128xf32, #tpu.memory_space<vmem_shared>>
        tpu.enqueue_indirect_dma source(%arg11 : memref<128x128xf32, #tpu.memory_space<vmem>>) target(%dma_start3A_26 : memref<10240x128xf32, #tpu.memory_space<vmem_shared>>) offsets(%dma_start3A_23 : memref<128xi32, #tpu.memory_space<vmem>>) semaphore(%run_scoped3A : memref<!tpu.dma_semaphore, #tpu.memory_space<semaphore_mem>>) {add = true}
        %dma_wait3A = arith.constant 0 : i32
        %dma_wait3A_27 = tpu.memref_slice %arg9[%scan3A_15, %dma_wait3A] : memref<80x128xi32, #tpu.memory_space<vmem>> -> memref<1x128xi32, #tpu.memory_space<vmem>>
        %dma_wait3A_28 = tpu.memref_squeeze %dma_wait3A_27 : memref<1x128xi32, #tpu.memory_space<vmem>> -> memref<128xi32, #tpu.memory_space<vmem>>
        %dma_wait3A_29 = arith.constant 0 : i32
        %dma_wait3A_30 = arith.constant 0 : i32
        %dma_wait3A_31 = tpu.memref_slice %arg12[%dma_wait3A_29, %dma_wait3A_30] : memref<10240x128xf32, #tpu.memory_space<vmem_shared>> -> memref<10240x128xf32, #tpu.memory_space<vmem_shared>>
        tpu.wait_indirect_dma semaphore(%run_scoped3A : memref<!tpu.dma_semaphore, #tpu.memory_space<semaphore_mem>>) src(%arg11 : memref<128x128xf32, #tpu.memory_space<vmem>>) dst(%dma_wait3A_31 : memref<10240x128xf32, #tpu.memory_space<vmem_shared>>)
        tpu.yield
      }) : () -> ()
    }
    %scan3A_9 = arith.constant 80 : i32
    %barrier3A_10 = arith.constant 0 : index
    tpu.barrier barrier_id(%barrier3A_10)
    %mul3A_11 = arith.constant 640 : i32
    %mul3A_12 = arith.muli %arg1, %mul3A_11 : i32
    %mul3A_13 = arith.constant 640 : i32
    %mul3A_14 = arith.muli %arg1, %mul3A_13 : i32
    "tpu.region"() ({
      %run_scoped3A = tpu.sem_alloc : memref<!tpu.dma_semaphore, #tpu.memory_space<semaphore_mem>>
      %dma_start3A = arith.constant 0 : i32
      %dma_start3A_15 = arith.constant 0 : i32
      %dma_start3A_16 = tpu.memref_slice %arg7[%arg0, %dma_start3A, %dma_start3A_15] : memref<2x10240x128xf32, #tpu.memory_space<hbm>> -> memref<1x10240x128xf32, #tpu.memory_space<hbm>>
      %dma_start3A_17 = tpu.memref_squeeze %dma_start3A_16 : memref<1x10240x128xf32, #tpu.memory_space<hbm>> -> memref<10240x128xf32, #tpu.memory_space<hbm>>
      %dma_start3A_18 = arith.constant 0 : i32
      %dma_start3A_19 = tpu.memref_slice %dma_start3A_17[%mul3A_14, %dma_start3A_18] : memref<10240x128xf32, #tpu.memory_space<hbm>> -> memref<640x128xf32, #tpu.memory_space<hbm>>
      %dma_start3A_20 = arith.constant 0 : i32
      %dma_start3A_21 = tpu.memref_slice %arg12[%mul3A_12, %dma_start3A_20] : memref<10240x128xf32, #tpu.memory_space<vmem_shared>> -> memref<640x128xf32, #tpu.memory_space<vmem_shared>>
      tpu.enqueue_dma source(%dma_start3A_21 : memref<640x128xf32, #tpu.memory_space<vmem_shared>>) target(%dma_start3A_19 : memref<640x128xf32, #tpu.memory_space<hbm>>) target_semaphore(%run_scoped3A : memref<!tpu.dma_semaphore, #tpu.memory_space<semaphore_mem>>)
      %dma_wait3A = arith.constant 0 : i32
      %dma_wait3A_22 = arith.constant 0 : i32
      %dma_wait3A_23 = tpu.memref_slice %arg7[%arg0, %dma_wait3A, %dma_wait3A_22] : memref<2x10240x128xf32, #tpu.memory_space<hbm>> -> memref<1x10240x128xf32, #tpu.memory_space<hbm>>
      %dma_wait3A_24 = tpu.memref_squeeze %dma_wait3A_23 : memref<1x10240x128xf32, #tpu.memory_space<hbm>> -> memref<10240x128xf32, #tpu.memory_space<hbm>>
      %dma_wait3A_25 = arith.constant 0 : i32
      %dma_wait3A_26 = tpu.memref_slice %dma_wait3A_24[%mul3A_14, %dma_wait3A_25] : memref<10240x128xf32, #tpu.memory_space<hbm>> -> memref<640x128xf32, #tpu.memory_space<hbm>>
      %dma_wait3A_27 = arith.constant 0 : i32
      %dma_wait3A_28 = tpu.memref_slice %arg12[%mul3A_12, %dma_wait3A_27] : memref<10240x128xf32, #tpu.memory_space<vmem_shared>> -> memref<640x128xf32, #tpu.memory_space<vmem_shared>>
      tpu.wait_dma2 semaphore(%run_scoped3A : memref<!tpu.dma_semaphore, #tpu.memory_space<semaphore_mem>>) src(%dma_wait3A_28 : memref<640x128xf32, #tpu.memory_space<vmem_shared>>) dst(%dma_wait3A_26 : memref<640x128xf32, #tpu.memory_space<hbm>>)
      tpu.yield
    }) : () -> ()
    return
  }
}

module attributes {stable_mosaic.version = 14 : i64} {
  func.func @body(%arg0: i32, %arg1: memref<2x1024x128xf32, #tpu.memory_space<vmem>>, %arg2: memref<128x128xf32, #tpu.memory_space<vmem>>, %arg3: memref<1024x128xf32, #tpu.memory_space<vmem>>) attributes {dimension_semantics = [#tpu.dimension_semantics<arbitrary>], iteration_bounds = array<i64: 10>, scalar_prefetch = 0 : i64, scratch_operands = 0 : i64, tpu.core_type = #tpu.core_type<tc>, window_params = [{transform_indices = @transform_0, window_bounds = array<i64: 2, 1024, 128>}, {pipeline_mode = #tpu.pipeline_mode<synchronous>, transform_indices = @transform_1, window_bounds = array<i64: 128, 128>}, {transform_indices = @transform_2, window_bounds = array<i64: 1024, 128>}]} {
    %get3A = arith.constant 0 : index
    %get3A_0 = arith.constant 0 : index
    %get3A_1 = arith.constant 0 : index
    %get3A_2 = vector.load %arg1[%get3A, %get3A_0, %get3A_1] : memref<2x1024x128xf32, #tpu.memory_space<vmem>>, vector<1x1024x128xf32>
    %get3A_3 = vector.shape_cast %get3A_2 : vector<1x1024x128xf32> to vector<1024x128xf32>
    %get3A_4 = arith.constant 1 : index
    %get3A_5 = arith.constant 0 : index
    %get3A_6 = arith.constant 0 : index
    %get3A_7 = vector.load %arg1[%get3A_4, %get3A_5, %get3A_6] : memref<2x1024x128xf32, #tpu.memory_space<vmem>>, vector<1x1024x128xf32>
    %get3A_8 = vector.shape_cast %get3A_7 : vector<1x1024x128xf32> to vector<1024x128xf32>
    %add3A = arith.addf %get3A_3, %get3A_8 : vector<1024x128xf32>
    %get3A_9 = arith.constant 0 : index
    %get3A_10 = arith.constant 0 : index
    %get3A_11 = vector.load %arg2[%get3A_9, %get3A_10] : memref<128x128xf32, #tpu.memory_space<vmem>>, vector<128x128xf32>
    %dot_general3A = arith.constant dense<0.000000e+00> : vector<1024x128xf32>
    %dot_general3A_12 = tpu.matmul %add3A, %get3A_11, %dot_general3A {dimension_numbers = #tpu.dot_dimension_numbers<[1], [0], [0], [1], [0, 0, 1, 1], [], []>, transpose_lhs_hint = false} : vector<1024x128xf32>, vector<128x128xf32>, vector<1024x128xf32> -> vector<1024x128xf32>
    %max3A = arith.constant 0.000000e+00 : f32
    %max3A_13 = vector.broadcast %max3A : f32 to vector<1024x128xf32>
    %max3A_14 = arith.maximumf %dot_general3A_12, %max3A_13 : vector<1024x128xf32>
    %swap3A = arith.constant 0 : index
    %swap3A_15 = arith.constant 0 : index
    %swap3A_16 = vector.load %arg3[%swap3A, %swap3A_15] : memref<1024x128xf32, #tpu.memory_space<vmem>>, vector<1024x128xf32>
    tpu.vector_store %arg3[%swap3A, %swap3A_15], %max3A_14 {strides = array<i32>} : memref<1024x128xf32, #tpu.memory_space<vmem>>, vector<1024x128xf32>,
    return
  }
  func.func @transform_0(%arg0: i32) -> (i32, i32, i32) {
    %c0_i32 = arith.constant 0 : i32
    %c0_i32_0 = arith.constant 0 : i32
    %c0_i32_1 = arith.constant 0 : i32
    return %c0_i32, %arg0, %c0_i32_0 : i32, i32, i32
  }
  func.func @transform_1(%arg0: i32) -> (i32, i32) {
    %c0_i32 = arith.constant 0 : i32
    %c0_i32_0 = arith.constant 0 : i32
    %c0_i32_1 = arith.constant 0 : i32
    return %c0_i32, %c0_i32_0 : i32, i32
  }
  func.func @transform_2(%arg0: i32) -> (i32, i32) {
    %c0_i32 = arith.constant 0 : i32
    %c0_i32_0 = arith.constant 0 : i32
    return %arg0, %c0_i32 : i32, i32
  }
}

</mosaic_0001>

<sc_bundles>
// kernel: kernel.4.cloned.1.call-start
scs
__scs_entry_jumppad:
0x0: {  	(pc) =	sbr.rel $0x88, $3  }
0x1: {  	(tag) =	ssettag $0x0;
	lr =	simm.s32 $0x1  }
0x2: {  	[smem:$0x3F9D] =	sst lr;
	_ =	strace $0xD0000000  }
0x3: {  	_ = 	snop  }
0x4: {  	_ = 	snop  }
0x5: {  	_ = 	snop  }
0x6: {  	_ = 	snop  }
0x7: {  	_ = 	snop  }
__scs_overlays_trampoline_lowered:
0x8: {  	[smem:$0x3FAC] =	sst s0  }
0x9: {  	[smem:$0x3FAD] =	sst s1  }
0xa: {  	[smem:$0x3FAE] =	sst s2  }
0xb: {  	[smem:$0x3FAF] =	sst s3  }
0xc: {  	[smem:$0x3FB0] =	sst s4  }
0xd: {  	[smem:$0x3FB1] =	sst s5  }
0xe: {  	[smem:$0x3FB2] =	sst s6  }
0xf: {  	[smem:$0x3FB3] =	sst s7  }
0x10: {  	[smem:$0x3FB4] =	sst s8  }
0x11: {  	[smem:$0x3FB5] =	sst s9;
	s0 =	simm.s32 @!p0 $0x0  }
0x12: {  	s1 =	sld [smem:$0x3F9B];
	s0 =	simm.s32 @p0 $0x1  }
0x13: {  	[smem:$0x3FB6] =	sst s0;
	s0 =	simm.s32 @!p1 $0x0  }
0x14: {  	s2 =	sld [smem:$0x3F9A];
	s0 =	simm.s32 @p1 $0x1  }
0x15: {  	[smem:$0x3FB7] =	sst s0;
	s0 =	simm.s32 @!p2 $0x0  }
0x16: {  	s3 =	sld [smem:$0x3FDB];
	s0 =	simm.s32 @p2 $0x1  }
0x17: {  	s4 =	simm.s32 $0x1BF5;
	[smem:$0x3FB9] =	sst s0  }
0x18: {  	s0 =	sld [smem:$0x3F9C];
	_ =	swait.ge [sflag:s4], $0x0  }
0x19: {  	s7 =	sld [smem:$0x3F9D]  }
0x1a: {  	s8 =	sadd.s32 $0xFFFFE003, lr  }
0x1b: {  	s9 =	sadd.s32 $0xFFFFFEF7, lr;
	s5 =	simm.s32 $0xFFFFFFFF;
	p2 =	slt.u32 s8, $0xFFFFF086  }
0x1c: {  	p1 =	slt.u32 s9, $0xF7A;
	s5 =	simm.s32 @!p2 $0x0  }
0x1d: {  	s5 =	simm.s32 @p1 $0x1;
	p0 =	seq.s32 s7, s2  }
0x1e: {  	s7 =	smul.u32 @!p0 $0xF7A, s2;
	p2 =	seq.s32 @!p0 s5, $0x0  }
0x1f: {  	s9 =	smul.u32 $0xF7A, s1;
	s8 =	simm.s32 @!p0 $0x1BF5;
	p2 =	por !p2, p0  }
0x20: {  	[sflag:s8] =	ssyncset.s32 @!p0 $0xFFFFF086;
	s6 =	sadd.s32 @!p0 s3, s7;
	s7 =	simm.s32 @!p0 $0x108  }
0x21: {  	s3 =	sadd.s32 s3, s9;
	s6 =	sadd.s32 @!p0 $0x88, s6;
	s7 =	simm.s32 @p2 $0x1082  }
0x22: {  	[simem:s7], [sflag:s8] =	dma.local @!p0 [hbm:s6], $0xF7A  }
0x23: {  	s9 =	sor.u32 $0xD0000000, s2;
	s6 =	simm.s32 $0x108;
	_ =	swait.ge @!p0 [sflag:s8], $0x0  }
0x24: {  	s3 =	sadd.s32 $0x88, s3;
	s6 =	simm.s32 @!p1 $0x1082;
	[sflag:s4] =	ssyncset.s32 $0xFFFFF086  }
0x25: {  	[simem:s6], [sflag:s4] =	dma.local [hbm:s3], $0xF7A  }
0x26: {  	[smem:$0x3F9D] =	sst s1;
	(tag) =	ssettag s2;
	_ =	strace s9  }
0x27: {  	s1 =	sld [smem:$0x3FAD]  }
0x28: {  	s2 =	sld [smem:$0x3FAE]  }
0x29: {  	s4 =	sld [smem:$0x3FB0]  }
0x2a: {  	p0 =	seq.s32 s5, $0x0;
	s5 =	sld [smem:$0x3FB1]  }
0x2b: {  	s6 =	sld [smem:$0x3FB2]  }
0x2c: {  	s7 =	sld [smem:$0x3FB3]  }
0x2d: {  	s3 =	simm.s32 $0x108;
	s8 =	sld [smem:$0x3FB4]  }
0x2e: {  	s3 =	simm.s32 @!p0 $0x1082;
	s9 =	sld [smem:$0x3FB5]  }
0x2f: {  	lr =	sadd.s32 s0, s3;
	s0 =	sld [smem:$0x3FAC]  }
0x30: {  	s3 =	sld [smem:$0x3FAF]  }
0x31: {  	[smem:$0x3FB8] =	sst s10  }
0x32: {  	s10 =	sld [smem:$0x3FB6];
	_ =	sdelay $0x3  }
0x33: {  	p0 =	seq.s32 s10, $0x1;
	s10 =	sld [smem:$0x3FB8];
	_ =	sdelay $0x3  }
0x34: {  	[smem:$0x3FB8] =	sst s10  }
0x35: {  	s10 =	sld [smem:$0x3FB7];
	_ =	sdelay $0x3  }
0x36: {  	p1 =	seq.s32 s10, $0x1;
	s10 =	sld [smem:$0x3FB8];
	_ =	sdelay $0x3  }
0x37: {  	[smem:$0x3FB8] =	sst s10  }
0x38: {  	s10 =	sld [smem:$0x3FB9]  }
0x39: {  	_ = 	snop;
	(pc) =	sbr.ind lr, $3  }
0x3a: {  	_ = 	snop  }
0x3b: {  	_ = 	snop  }
0x3c: {  	p2 =	seq.s32 s10, $0x1;
	s10 =	sld [smem:$0x3FB8]  }
0x3d: {  	_ =	shalt  }
0x3e: {  	_ =	shalt  }
0x3f: {  	_ =	shalt  }
0x40: {  	_ =	shalt  }
0x41: {  	_ =	shalt  }
0x42: {  	_ =	shalt  }
0x43: {  	_ =	shalt  }
0x44: {  	_ =	shalt  }
0x45: {  	_ =	shalt  }
0x46: {  	_ =	shalt  }
0x47: {  	_ =	shalt  }
0x48: {  	_ =	shalt  }
0x49: {  	_ =	shalt  }
0x4a: {  	_ =	shalt  }
0x4b: {  	_ =	shalt  }
0x4c: {  	_ =	shalt  }
0x4d: {  	_ =	shalt  }
0x4e: {  	_ =	shalt  }
0x4f: {  	_ =	shalt  }
0x50: {  	_ =	shalt  }
0x51: {  	_ =	shalt  }
0x52: {  	_ =	shalt  }
0x53: {  	_ =	shalt  }
0x54: {  	_ =	shalt  }
0x55: {  	_ =	shalt  }
0x56: {  	_ =	shalt  }
0x57: {  	_ =	shalt  }
0x58: {  	_ =	shalt  }
0x59: {  	_ =	shalt  }
0x5a: {  	_ =	shalt  }
0x5b: {  	_ =	shalt  }
0x5c: {  	_ =	shalt  }
0x5d: {  	_ =	shalt  }
0x5e: {  	_ =	shalt  }
0x5f: {  	_ =	shalt  }
0x60: {  	_ =	shalt  }
0x61: {  	_ =	shalt  }
0x62: {  	_ =	shalt  }
0x63: {  	_ =	shalt  }
0x64: {  	_ =	shalt  }
0x65: {  	_ =	shalt  }
0x66: {  	_ =	shalt  }
0x67: {  	_ =	shalt  }
0x68: {  	_ =	shalt  }
0x69: {  	_ =	shalt  }
0x6a: {  	_ =	shalt  }
0x6b: {  	_ =	shalt  }
0x6c: {  	_ =	shalt  }
0x6d: {  	_ =	shalt  }
0x6e: {  	_ =	shalt  }
0x6f: {  	_ =	shalt  }
0x70: {  	_ =	shalt  }
0x71: {  	_ =	shalt  }
0x72: {  	_ =	shalt  }
0x73: {  	_ =	shalt  }
0x74: {  	_ =	shalt  }
0x75: {  	_ =	shalt  }
0x76: {  	_ =	shalt  }
0x77: {  	_ =	shalt  }
0x78: {  	_ =	shalt  }
0x79: {  	_ =	shalt  }
0x7a: {  	_ =	shalt  }
0x7b: {  	_ =	shalt  }
0x7c: {  	_ =	shalt  }
0x7d: {  	_ =	shalt  }
0x7e: {  	_ =	shalt  }
0x7f: {  	_ =	shalt  }
0x80: {  	_ =	shalt  }
0x81: {  	_ =	shalt  }
0x82: {  	_ =	shalt  }
0x83: {  	_ =	shalt  }
0x84: {  	_ =	shalt  }
0x85: {  	_ =	shalt  }
0x86: {  	_ =	shalt  }
0x87: {  	_ =	shalt  }
.Lfunc_end0:
.L_simem_size_0:
called_computation_lowered:
.L_overlay_start_0:
0x88: {  	s2 =	sld [smem:$0x3FD9]  }
0x89: {  	s3 =	sld [smem:$0x3FFE];
	_ =	sdelay $0x1  }
0x8a: {  	s1 =	srdreg.scid  }
0x8b: {  	s0 =	sand.u32 $0x1, s1  }
0x8c: {  	s17 =	sshll.u32 s0, $0xA;
	s2 =	sadd.s32 s3, s2  }
0x8d: {  	s2 =	sadd.s32 s2, s17  }
0x8e: {  	[smem:$0x3FC4] =	sst s2  }
0x8f: {  	_ = 	snop  }
0x90: {  	s2 =	sld [smem:$0x3FC9]  }
0x91: {  	s18 =	sld [smem:$0x3FD0];
	(tm) =	ssettm $0x1  }
0x92: {  	s4 =	sld [smem:$0x3FFB];
	_ =	sdelay $0x3  }
0x93: {  	_ =	strace s4  }
0x94: {  	s4 =	sld [smem:$0x3FFC];
	_ =	sdelay $0x3  }
0x95: {  	_ =	strace s4  }
0x96: {  	s4 =	sld [smem:$0x3FFD];
	_ =	sdelay $0x3  }
0x97: {  	_ =	strace s4  }
0x98: {  	_ =	strace $0x8FFFFFFF  }
0x99: {  	s19 =	sld [smem:$0x3FDB];
	_ =	sdelay $0x1  }
0x9a: {  	s5 =	simm.s32 $_scs_section_size  }
0x9b: {  	s6 =	simm.s32 $_size__tile_overlayer_lowered;
	s7 =	simm.s32 $_tile_overlayer_lowered  }
0x9c: {  	s22 =	simm.s32 $0x1BFF;
	s21 =	sshll.u32 s7, $0x1;
	s4 =	sadd.s32 s5, s19  }
0x9d: {  	s8 =	simm.s32 $0x0;
	s20 =	sshll.u32 s6, $0x1;
	s6 =	sadd.s32 s21, s4  }
0x9e: {  	[timem:s8], [sflag:s22] =	dma.local [hbm:s6], s20  }
0x9f: {  	_ =	swait.ge [sflag:s22], s20  }
0xa0: {  	s5 =	ssub.s32 $0x0, s20;
	[sflag:s22] =	ssyncset.done $0x0  }
0xa1: {  	[sflag:s22] =	ssyncadd.s32 s5;
	_ =	sdelay $0x1  }
0xa2: {  	s23 =	simm.s32 $0x1B8B  }
0xa3: {  	_ =	swait.ge [sflag:s23], $0x1  }
0xa4: {  	[sflag:s23] =	ssyncset.done $0x0  }
0xa5: {  	s25 =	simm.s32 $0x1B8E;
	s24 =	sld [smem:$0x3FFE];
	[sflag:s23] =	ssyncadd.s32 $0xFFFFFFFF  }
0xa6: {  	s26 =	simm.s32 $execute0_lowered;
	[smem:$0x3FD2] =	sst s25  }
0xa7: {  	s6 =	sshll.u32 s26, $0x1;
	_ =	strace $0x80000046;
	[dreg:$0x1] =	wrdreg $0xFFFFFFFF  }
0xa8: {  	s28 =	simm.s32 $_size_execute0_lowered;
	s4 =	sadd.s32 s4, s6;
	[dreg:$0x0] =	wrdreg $0x0  }
0xa9: {  	s6 =	sshll.u32 s28, $0x1;
	[dreg:$0x2] =	wrdreg s4  }
0xaa: {  	[dreg:$0x3] =	wrdreg s6  }
0xab: {  	[dreg:$0x4] =	wrdreg $0xC0  }
0xac: {  	_ =	task [dreg:s8], $0x5FFFF  }
0xad: {  	[dreg:$0x1] =	wrdreg $0xFFFFFFFF  }
0xae: {  	[dreg:$0x0] =	wrdreg $0x60  }
0xaf: {  	[dreg:$0x2] =	wrdreg s2  }
0xb0: {  	[dreg:$0x3] =	wrdreg s24  }
0xb1: {  	[dreg:$0x4] =	wrdreg s18  }
0xb2: {  	[dreg:$0x5] =	wrdreg $0xB8000  }
0xb3: {  	[dreg:$0x6] =	wrdreg $0x9  }
0xb4: {  	_ =	task.clear_ibuf [dreg:s8], $0x7FFFF;
	_ =	strace $0x90000046  }
0xb5: {  	s29 =	simm.s32 $0x9;
	_ =	strace $0x80000048  }
0xb6: {  	_ =	swait.ge [sflag:s29], $0x1  }
0xb7: {  	[sflag:s29] =	ssyncadd.s32 $0xFFFFFFFF  }
0xb8: {  	_ =	strace $0x90000048  }
0xb9: {  	_ =	sfence  }
0xba: {  	s30 =	sld [smem:$0x0];
	_ =	sdelay $0x2  }
0xbb: {  	s31 =	sshll.u32 s1, $0xD;
	s1 =	sshrl.u32 s1, $0x2  }
0xbc: {  	s3 =	sand.u32 $0x4000, s31;
	s1 =	sadd.s32 s1, s30  }
0xbd: {  	s0 =	sor.u32 s3, s0;
	s1 =	sshll.u32 s1, $0x11  }
0xbe: {  	s0 =	sor.u32 s1, s0  }
0xbf: {  	s0 =	sadd.s32 $0x8F2B, s0  }
0xc0: {  	[sflag:s0] =	ssyncadd.remote.s32 $0x1  }
0xc1: {  	_ =	sfence.sel $0xFFFF  }
0xc2: {  	[dreg:$0x0] =	wrdreg $0xFFFFFFFF;
	(pc) =	sbr.abs _section_cstart, $3  }
0xc3: {  	[dreg:$0x1] =	wrdreg $0xFFFFFFFF  }
0xc4: {  	_ =	task.clear_ibuf [dreg:s8], $0x2FFFF;
	_ =	strace $0x9FFFFFFF  }
0xc5: {  	(tm) =	ssettm $0x7FFFFFFF  }
tec
execute0_lowered:
.L_overlay_start_1:
0x0: {  	(tag) =	ssettag $0x1  }
0x1: {  	s0 =	rddreg [dreg:$0x0]  }
0x2: {  	s6 =	rddreg [dreg:$0x1]  }
0x3: {  	s1 =	srdreg.scid;
	s7 =	rddreg [dreg:$0x2]  }
0x4: {  	s3 =	rddreg [dreg:$0x3];
	s2 =	stileid.u32;
	s4 =	simm.s32 $0x0  }
0x5: {  	s15 =	simm.s32 $0x80;
	s5 =	sand.u32 $0x1, s1;
	s1 =	rddreg [dreg:$0x4]  }
0x6: {  	s16 =	simm.s32 $0x7800;
	[smem:$0x7FF] =	sst s4;
	s13 =	smul.u32 $0x50000, s2  }
0x7: {  	s18 =	smul.u32 $0x2800, s2;
	s31 =	sshll.u32 s2, $0x6;
	s8 =	sshll.u32 s5, $0x4  }
0x8: {  	_ =	strace $0x80000047;
	s9 =	smul.u32 $0x28000, s5;
	s10 =	ssub.s32 $0x2, s5  }
0x9: {  	s5 =	sadd.s32 $0x14400, s6;
	s8 =	sor.u32 s2, s8;
	s12 =	sshrl.u32 s10, $0x1  }
0xa: {  	v0 =	vimm.s32 $0x0;
	s30 =	sshrl.u32 s13, $0x2;
	s13 =	sor.u32 $0x1C01, s31;
	s8 =	smul.u32 $0x500, s8  }
0xb: {  	v1 =	vimm.s32 $0x1;
	v2 =	vimm.s32 $0x2;
	v3 =	vimm.s32 $0x3;
	s9 =	sadd.s32 s9, s6;
	s10 =	ssub.s32 s10, s12;
	s14 =	sadd.s32 s30, s3  }
0xc: {  	v4 =	vimm.s32 $0x4;
	v5 =	vimm.s32 $0x5;
	v6 =	vimm.s32 $0x6;
	s12 =	simm.s32 $0x5000;
	s17 =	sadd.s32 $0x16C00, s9;
	s9 =	smax.u32 s10, $0x1  }
0xd: {  	v7 =	vimm.s32 $0x7;
	v8 =	vimm.s32 $0x8;
	v9 =	vimm.s32 $0x9;
	s10 =	simm.s32 $0x1;
	s14 =	sshrl.u32 s14, $0x3;
	s11 =	sadd.s32 s8, s6  }
0xe: {  	v10 =	vimm.s32 $0xA;
	v11 =	vimm.s32 $0xB;
	v12 =	vimm.s32 $0xC;
	s6 =	sadd.s32 s7, s8;
	s17 =	sadd.s32 s18, s17;
	s18 =	simm.s32 $0x0  }
0xf: {  	v13 =	vimm.s32 $0xD;
	v14 =	vimm.s32 $0xE;
	v15 =	vimm.s32 $0xF;
	s7 =	sadd.s32 $0xA400, s11;
	s8 =	sadd.s32 $0x400, s11;
	s11 =	simm.s32 $0x2800  }
.LBB2_1:
0x10: {  	[tilespmem:s4], [sflag:$0x1] =	stream.linear.gather [hbm4b:s6+s4], $0x2800, $0x38;
	[tilespmem:$0x1F800] =	vst v63  }
0x11: {  	_ =	swait.ge [sflag:s10], $0x2800  }
0x12: {  	[sflag:s10] =	ssyncset.done $0x0  }
0x13: {  	[sflag:s10] =	ssyncadd.s32 $0xFFFFD800  }
0x14: {  	[tilespmem:s11], [sflag:$0x1] =	stream.linear.gather [hbm4b:s7+s4], $0x2800, $0x38;
	[tilespmem:$0x1F800] =	vst v63  }
0x15: {  	_ =	swait.ge [sflag:s10], $0x2800  }
0x16: {  	[sflag:s10] =	ssyncset.done $0x0  }
0x17: {  	[sflag:s10] =	ssyncadd.s32 $0xFFFFD800  }
0x18: {  	[tilespmem:s12], [sflag:$0x1] =	stream.linear.gather [hbm4b:s8+s4], $0x2800, $0x38;
	[tilespmem:$0x1F800] =	vst v63  }
0x19: {  	_ =	swait.ge [sflag:s10], $0x2800  }
0x1a: {  	[sflag:s10] =	ssyncset.done $0x0  }
0x1b: {  	[sflag:s10] =	ssyncadd.s32 $0xFFFFD800  }
0x1c: {  	[spmem:s14], [sflag:s13] =	dma.local [hbm:s5], $0x2800  }
0x1d: {  	_ =	swait.ge [sflag:s10], $0x2800  }
0x1e: {  	[sflag:s10] =	ssyncset.done $0x0  }
0x1f: {  	[sflag:s10] =	ssyncadd.s32 $0xFFFFD800  }
0x20: {  	s19 =	simm.s32 $0x0;
	[bflag:$0x0] =	sbarrier.arrive $0xFFFF  }
.LBB2_2:
0x21: {  	s20 =	sshll.u32 s19, $0x7  }
0x22: {  	[tilespmem:s16], [sflag:$0x1] =	stream.indirect.gather [hbm4b:s0+s15], $0x80, s20, s15, $0xb8;
	[tilespmem:$0x1F800] =	vst v63  }
0x23: {  	s22 =	sadd.s32 $0x5000, s20  }
0x24: {  	_ =	swait.ge [sflag:s10], $0x4000;
	v16 =	vmov s22  }
0x25: {  	[sflag:s10] =	ssyncset.done $0x0  }
0x26: {  	s21 =	simm.s32 $0x0;
	[sflag:s10] =	ssyncadd.s32 $0xFFFFC000  }
.LBB2_3:
0x27: {  	s22 =	sshll.u32 s21, $0x4  }
0x28: {  	s22 =	sand.u32 $0x3FFFFFF0, s22  }
0x29: {  	s31 =	sshll.u32 s21, $0xB;
	v17 =	vld.idx.msk [tilespmem:v16+s22+$0x0 ss:$0x1], $0xffff  }
0x2a: {  	s22 =	sand.u32 $0x3FFFF800, s31  }
0x2b: {  	v18 =	vld [tilespmem:s22+$0x7800]  }
0x2c: {  	v19 =	vld [tilespmem:s22+$0x7810]  }
0x2d: {  	v20 =	vld [tilespmem:s22+$0x7820]  }
0x2e: {  	v22 =	vld [tilespmem:s22+$0x7830];
	v21 =	vperm.xlane v17, v0  }
0x2f: {  	v23 =	vld [tilespmem:s22+$0x7840]  }
0x30: {  	v24 =	vld [tilespmem:s22+$0x7850];
	v18 =	vmul.f32 v18, v21  }
0x31: {  	v25 =	vld [tilespmem:s22+$0x7860];
	v19 =	vmul.f32 v19, v21  }
0x32: {  	v38 =	vld [tilespmem:s22+$0x7870];
	[tilespmem:s22+$0x7800] =	vst v18;
	v18 =	vmul.f32 v20, v21  }
0x33: {  	v39 =	vld [tilespmem:s22+$0x7880];
	[tilespmem:s22+$0x7810] =	vst v19;
	v19 =	vmul.f32 v22, v21  }
0x34: {  	v40 =	vld [tilespmem:s22+$0x7890];
	[tilespmem:s22+$0x7820] =	vst v18;
	v18 =	vmul.f32 v23, v21  }
0x35: {  	v41 =	vld [tilespmem:s22+$0x78A0];
	[tilespmem:s22+$0x7830] =	vst v19;
	v19 =	vmul.f32 v24, v21  }
0x36: {  	v26 =	vld [tilespmem:s22+$0x78B0];
	v42 =	vperm.xlane v17, v1;
	[tilespmem:s22+$0x7840] =	vst v18;
	v18 =	vmul.f32 v25, v21  }
0x37: {  	v43 =	vld [tilespmem:s22+$0x78C0];
	[tilespmem:s22+$0x7850] =	vst v19;
	v19 =	vmul.f32 v38, v21  }
0x38: {  	v44 =	vld [tilespmem:s22+$0x78D0];
	[tilespmem:s22+$0x7860] =	vst v18;
	v18 =	vmul.f32 v39, v42  }
0x39: {  	v45 =	vld [tilespmem:s22+$0x78E0];
	[tilespmem:s22+$0x7870] =	vst v19;
	v19 =	vmul.f32 v40, v42  }
0x3a: {  	v46 =	vld [tilespmem:s22+$0x78F0];
	[tilespmem:s22+$0x7880] =	vst v18;
	v18 =	vmul.f32 v41, v42  }
0x3b: {  	v47 =	vld [tilespmem:s22+$0x7900];
	[tilespmem:s22+$0x7890] =	vst v19;
	v19 =	vmul.f32 v26, v42  }
0x3c: {  	v48 =	vld [tilespmem:s22+$0x7910];
	[tilespmem:s22+$0x78A0] =	vst v18;
	v18 =	vmul.f32 v43, v42  }
0x3d: {  	v49 =	vld [tilespmem:s22+$0x7920];
	[tilespmem:s22+$0x78B0] =	vst v19;
	v19 =	vmul.f32 v44, v42  }
0x3e: {  	v51 =	vld [tilespmem:s22+$0x7930];
	v50 =	vperm.xlane v17, v2;
	[tilespmem:s22+$0x78C0] =	vst v18;
	v18 =	vmul.f32 v45, v42  }
0x3f: {  	v52 =	vld [tilespmem:s22+$0x7940];
	[tilespmem:s22+$0x78D0] =	vst v19;
	v19 =	vmul.f32 v46, v42  }
0x40: {  	v53 =	vld [tilespmem:s22+$0x7950];
	[tilespmem:s22+$0x78E0] =	vst v18;
	v18 =	vmul.f32 v47, v50  }
0x41: {  	v54 =	vld [tilespmem:s22+$0x7960];
	[tilespmem:s22+$0x78F0] =	vst v19;
	v19 =	vmul.f32 v48, v50  }
0x42: {  	v55 =	vld [tilespmem:s22+$0x7970];
	[tilespmem:s22+$0x7900] =	vst v18;
	v18 =	vmul.f32 v49, v50  }
0x43: {  	v56 =	vld [tilespmem:s22+$0x7980];
	[tilespmem:s22+$0x7910] =	vst v19;
	v19 =	vmul.f32 v51, v50  }
0x44: {  	v57 =	vld [tilespmem:s22+$0x7990];
	[tilespmem:s22+$0x7920] =	vst v18;
	v18 =	vmul.f32 v52, v50  }
0x45: {  	v58 =	vld [tilespmem:s22+$0x79A0];
	[tilespmem:s22+$0x7930] =	vst v19;
	v19 =	vmul.f32 v53, v50  }
0x46: {  	v60 =	vld [tilespmem:s22+$0x79B0];
	v59 =	vperm.xlane v17, v3;
	[tilespmem:s22+$0x7940] =	vst v18;
	v18 =	vmul.f32 v54, v50  }
0x47: {  	v61 =	vld [tilespmem:s22+$0x79C0];
	[tilespmem:s22+$0x7950] =	vst v19;
	v19 =	vmul.f32 v55, v50  }
0x48: {  	v62 =	vld [tilespmem:s22+$0x79D0];
	[tilespmem:s22+$0x7960] =	vst v18;
	v18 =	vmul.f32 v56, v59  }
0x49: {  	v63 =	vld [tilespmem:s22+$0x79E0];
	[tilespmem:s22+$0x7970] =	vst v19;
	v19 =	vmul.f32 v57, v59  }
0x4a: {  	v28 =	vld [tilespmem:s22+$0x79F0];
	[tilespmem:s22+$0x7980] =	vst v18;
	v18 =	vmul.f32 v58, v59  }
0x4b: {  	v29 =	vld [tilespmem:s22+$0x7A00];
	[tilespmem:s22+$0x7990] =	vst v19;
	v19 =	vmul.f32 v60, v59  }
0x4c: {  	v30 =	vld [tilespmem:s22+$0x7A10];
	[tilespmem:s22+$0x79A0] =	vst v18;
	v18 =	vmul.f32 v61, v59  }
0x4d: {  	v31 =	vld [tilespmem:s22+$0x7A20];
	[tilespmem:s22+$0x79B0] =	vst v19;
	v19 =	vmul.f32 v62, v59  }
0x4e: {  	v33 =	vld [tilespmem:s22+$0x7A30];
	v32 =	vperm.xlane v17, v4;
	[tilespmem:s22+$0x79C0] =	vst v18;
	v18 =	vmul.f32 v63, v59  }
0x4f: {  	v34 =	vld [tilespmem:s22+$0x7A40];
	[tilespmem:s22+$0x79D0] =	vst v19;
	v19 =	vmul.f32 v28, v59  }
0x50: {  	v35 =	vld [tilespmem:s22+$0x7A50];
	[tilespmem:s22+$0x79E0] =	vst v18;
	v18 =	vmul.f32 v29, v32  }
0x51: {  	v36 =	vld [tilespmem:s22+$0x7A60];
	[tilespmem:s22+$0x79F0] =	vst v19;
	v19 =	vmul.f32 v30, v32  }
0x52: {  	v37 =	vld [tilespmem:s22+$0x7A70];
	[tilespmem:s22+$0x7A00] =	vst v18;
	v18 =	vmul.f32 v31, v32  }
0x53: {  	v38 =	vld [tilespmem:s22+$0x7A80];
	[tilespmem:s22+$0x7A10] =	vst v19;
	v19 =	vmul.f32 v33, v32  }
0x54: {  	v39 =	vld [tilespmem:s22+$0x7A90];
	[tilespmem:s22+$0x7A20] =	vst v18;
	v18 =	vmul.f32 v34, v32  }
0x55: {  	v40 =	vld [tilespmem:s22+$0x7AA0];
	[tilespmem:s22+$0x7A30] =	vst v19;
	v19 =	vmul.f32 v35, v32  }
0x56: {  	v41 =	vperm.xlane v17, v5;
	v42 =	vld [tilespmem:s22+$0x7AB0];
	[tilespmem:s22+$0x7A40] =	vst v18;
	v18 =	vmul.f32 v36, v32  }
0x57: {  	v43 =	vld [tilespmem:s22+$0x7AC0];
	[tilespmem:s22+$0x7A50] =	vst v19;
	v19 =	vmul.f32 v37, v32  }
0x58: {  	v44 =	vld [tilespmem:s22+$0x7AD0];
	[tilespmem:s22+$0x7A60] =	vst v18;
	v18 =	vmul.f32 v38, v41  }
0x59: {  	v45 =	vld [tilespmem:s22+$0x7AE0];
	[tilespmem:s22+$0x7A70] =	vst v19;
	v19 =	vmul.f32 v39, v41  }
0x5a: {  	v46 =	vld [tilespmem:s22+$0x7AF0];
	[tilespmem:s22+$0x7A80] =	vst v18;
	v18 =	vmul.f32 v40, v41  }
0x5b: {  	v47 =	vld [tilespmem:s22+$0x7B00];
	[tilespmem:s22+$0x7A90] =	vst v19;
	v19 =	vmul.f32 v42, v41  }
0x5c: {  	v48 =	vld [tilespmem:s22+$0x7B10];
	[tilespmem:s22+$0x7AA0] =	vst v18;
	v18 =	vmul.f32 v43, v41  }
0x5d: {  	v49 =	vld [tilespmem:s22+$0x7B20];
	[tilespmem:s22+$0x7AB0] =	vst v19;
	v19 =	vmul.f32 v44, v41  }
0x5e: {  	v51 =	vld [tilespmem:s22+$0x7B30];
	v50 =	vperm.xlane v17, v6;
	[tilespmem:s22+$0x7AC0] =	vst v18;
	v18 =	vmul.f32 v45, v41  }
0x5f: {  	v52 =	vld [tilespmem:s22+$0x7B40];
	[tilespmem:s22+$0x7AD0] =	vst v19;
	v19 =	vmul.f32 v46, v41  }
0x60: {  	v53 =	vld [tilespmem:s22+$0x7B50];
	[tilespmem:s22+$0x7AE0] =	vst v18;
	v18 =	vmul.f32 v47, v50  }
0x61: {  	v54 =	vld [tilespmem:s22+$0x7B60];
	[tilespmem:s22+$0x7AF0] =	vst v19;
	v19 =	vmul.f32 v48, v50  }
0x62: {  	v55 =	vld [tilespmem:s22+$0x7B70];
	[tilespmem:s22+$0x7B00] =	vst v18;
	v18 =	vmul.f32 v49, v50  }
0x63: {  	v56 =	vld [tilespmem:s22+$0x7B80];
	[tilespmem:s22+$0x7B10] =	vst v19;
	v19 =	vmul.f32 v51, v50  }
0x64: {  	v57 =	vld [tilespmem:s22+$0x7B90];
	[tilespmem:s22+$0x7B20] =	vst v18;
	v18 =	vmul.f32 v52, v50  }
0x65: {  	v58 =	vld [tilespmem:s22+$0x7BA0];
	[tilespmem:s22+$0x7B30] =	vst v19;
	v19 =	vmul.f32 v53, v50  }
0x66: {  	v60 =	vld [tilespmem:s22+$0x7BB0];
	v59 =	vperm.xlane v17, v7;
	[tilespmem:s22+$0x7B40] =	vst v18;
	v18 =	vmul.f32 v54, v50  }
0x67: {  	v61 =	vld [tilespmem:s22+$0x7BC0];
	[tilespmem:s22+$0x7B50] =	vst v19;
	v19 =	vmul.f32 v55, v50  }
0x68: {  	v62 =	vld [tilespmem:s22+$0x7BD0];
	[tilespmem:s22+$0x7B60] =	vst v18;
	v18 =	vmul.f32 v56, v59  }
0x69: {  	v63 =	vld [tilespmem:s22+$0x7BE0];
	[tilespmem:s22+$0x7B70] =	vst v19;
	v19 =	vmul.f32 v57, v59  }
0x6a: {  	v28 =	vld [tilespmem:s22+$0x7BF0];
	[tilespmem:s22+$0x7B80] =	vst v18;
	v18 =	vmul.f32 v58, v59  }
0x6b: {  	v29 =	vld [tilespmem:s22+$0x7C00];
	[tilespmem:s22+$0x7B90] =	vst v19;
	v19 =	vmul.f32 v60, v59  }
0x6c: {  	v30 =	vld [tilespmem:s22+$0x7C10];
	[tilespmem:s22+$0x7BA0] =	vst v18;
	v18 =	vmul.f32 v61, v59  }
0x6d: {  	v31 =	vld [tilespmem:s22+$0x7C20];
	[tilespmem:s22+$0x7BB0] =	vst v19;
	v19 =	vmul.f32 v62, v59  }
0x6e: {  	v33 =	vld [tilespmem:s22+$0x7C30];
	v32 =	vperm.xlane v17, v8;
	[tilespmem:s22+$0x7BC0] =	vst v18;
	v18 =	vmul.f32 v63, v59  }
0x6f: {  	v34 =	vld [tilespmem:s22+$0x7C40];
	[tilespmem:s22+$0x7BD0] =	vst v19;
	v19 =	vmul.f32 v28, v59  }
0x70: {  	v35 =	vld [tilespmem:s22+$0x7C50];
	[tilespmem:s22+$0x7BE0] =	vst v18;
	v18 =	vmul.f32 v29, v32  }
0x71: {  	v36 =	vld [tilespmem:s22+$0x7C60];
	[tilespmem:s22+$0x7BF0] =	vst v19;
	v19 =	vmul.f32 v30, v32  }
0x72: {  	v37 =	vld [tilespmem:s22+$0x7C70];
	[tilespmem:s22+$0x7C00] =	vst v18;
	v18 =	vmul.f32 v31, v32  }
0x73: {  	v38 =	vld [tilespmem:s22+$0x7C80];
	[tilespmem:s22+$0x7C10] =	vst v19;
	v19 =	vmul.f32 v33, v32  }
0x74: {  	v39 =	vld [tilespmem:s22+$0x7C90];
	[tilespmem:s22+$0x7C20] =	vst v18;
	v18 =	vmul.f32 v34, v32  }
0x75: {  	v40 =	vld [tilespmem:s22+$0x7CA0];
	[tilespmem:s22+$0x7C30] =	vst v19;
	v19 =	vmul.f32 v35, v32  }
0x76: {  	v42 =	vld [tilespmem:s22+$0x7CB0];
	v41 =	vperm.xlane v17, v9;
	[tilespmem:s22+$0x7C40] =	vst v18;
	v18 =	vmul.f32 v36, v32  }
0x77: {  	v43 =	vld [tilespmem:s22+$0x7CC0];
	[tilespmem:s22+$0x7C50] =	vst v19;
	v19 =	vmul.f32 v37, v32  }
0x78: {  	v44 =	vld [tilespmem:s22+$0x7CD0];
	[tilespmem:s22+$0x7C60] =	vst v18;
	v18 =	vmul.f32 v38, v41  }
0x79: {  	v45 =	vld [tilespmem:s22+$0x7CE0];
	[tilespmem:s22+$0x7C70] =	vst v19;
	v19 =	vmul.f32 v39, v41  }
0x7a: {  	v46 =	vld [tilespmem:s22+$0x7CF0];
	[tilespmem:s22+$0x7C80] =	vst v18;
	v18 =	vmul.f32 v40, v41  }
0x7b: {  	v47 =	vld [tilespmem:s22+$0x7D00];
	[tilespmem:s22+$0x7C90] =	vst v19;
	v19 =	vmul.f32 v42, v41  }
0x7c: {  	v48 =	vld [tilespmem:s22+$0x7D10];
	[tilespmem:s22+$0x7CA0] =	vst v18;
	v18 =	vmul.f32 v43, v41  }
0x7d: {  	v49 =	vld [tilespmem:s22+$0x7D20];
	[tilespmem:s22+$0x7CB0] =	vst v19;
	v19 =	vmul.f32 v44, v41  }
0x7e: {  	v51 =	vld [tilespmem:s22+$0x7D30];
	v50 =	vperm.xlane v17, v10;
	[tilespmem:s22+$0x7CC0] =	vst v18;
	v18 =	vmul.f32 v45, v41  }
0x7f: {  	v52 =	vld [tilespmem:s22+$0x7D40];
	[tilespmem:s22+$0x7CD0] =	vst v19;
	v19 =	vmul.f32 v46, v41  }
0x80: {  	v53 =	vld [tilespmem:s22+$0x7D50];
	[tilespmem:s22+$0x7CE0] =	vst v18;
	v18 =	vmul.f32 v47, v50  }
0x81: {  	v54 =	vld [tilespmem:s22+$0x7D60];
	[tilespmem:s22+$0x7CF0] =	vst v19;
	v19 =	vmul.f32 v48, v50  }
0x82: {  	v55 =	vld [tilespmem:s22+$0x7D70];
	[tilespmem:s22+$0x7D00] =	vst v18;
	v18 =	vmul.f32 v49, v50  }
0x83: {  	v56 =	vld [tilespmem:s22+$0x7D80];
	[tilespmem:s22+$0x7D10] =	vst v19;
	v19 =	vmul.f32 v51, v50  }
0x84: {  	v57 =	vld [tilespmem:s22+$0x7D90];
	[tilespmem:s22+$0x7D20] =	vst v18;
	v18 =	vmul.f32 v52, v50  }
0x85: {  	v58 =	vld [tilespmem:s22+$0x7DA0];
	[tilespmem:s22+$0x7D30] =	vst v19;
	v19 =	vmul.f32 v53, v50  }
0x86: {  	v60 =	vld [tilespmem:s22+$0x7DB0];
	v59 =	vperm.xlane v17, v11;
	[tilespmem:s22+$0x7D40] =	vst v18;
	v18 =	vmul.f32 v54, v50  }
0x87: {  	v61 =	vld [tilespmem:s22+$0x7DC0];
	[tilespmem:s22+$0x7D50] =	vst v19;
	v19 =	vmul.f32 v55, v50  }
0x88: {  	v62 =	vld [tilespmem:s22+$0x7DD0];
	[tilespmem:s22+$0x7D60] =	vst v18;
	v18 =	vmul.f32 v56, v59  }
0x89: {  	v63 =	vld [tilespmem:s22+$0x7DE0];
	[tilespmem:s22+$0x7D70] =	vst v19;
	v19 =	vmul.f32 v57, v59  }
0x8a: {  	v28 =	vld [tilespmem:s22+$0x7DF0];
	[tilespmem:s22+$0x7D80] =	vst v18;
	v18 =	vmul.f32 v58, v59  }
0x8b: {  	v29 =	vld [tilespmem:s22+$0x7E00];
	[tilespmem:s22+$0x7D90] =	vst v19;
	v19 =	vmul.f32 v60, v59  }
0x8c: {  	v30 =	vld [tilespmem:s22+$0x7E10];
	[tilespmem:s22+$0x7DA0] =	vst v18;
	v18 =	vmul.f32 v61, v59  }
0x8d: {  	v31 =	vld [tilespmem:s22+$0x7E20];
	[tilespmem:s22+$0x7DB0] =	vst v19;
	v19 =	vmul.f32 v62, v59  }
0x8e: {  	v33 =	vld [tilespmem:s22+$0x7E30];
	v32 =	vperm.xlane v17, v12;
	[tilespmem:s22+$0x7DC0] =	vst v18;
	v18 =	vmul.f32 v63, v59  }
0x8f: {  	v34 =	vld [tilespmem:s22+$0x7E40];
	[tilespmem:s22+$0x7DD0] =	vst v19;
	v19 =	vmul.f32 v28, v59  }
0x90: {  	v35 =	vld [tilespmem:s22+$0x7E50];
	[tilespmem:s22+$0x7DE0] =	vst v18;
	v18 =	vmul.f32 v29, v32  }
0x91: {  	v36 =	vld [tilespmem:s22+$0x7E60];
	[tilespmem:s22+$0x7DF0] =	vst v19;
	v19 =	vmul.f32 v30, v32  }
0x92: {  	v37 =	vld [tilespmem:s22+$0x7E70];
	[tilespmem:s22+$0x7E00] =	vst v18;
	v18 =	vmul.f32 v31, v32  }
0x93: {  	v38 =	vld [tilespmem:s22+$0x7E80];
	[tilespmem:s22+$0x7E10] =	vst v19;
	v19 =	vmul.f32 v33, v32  }
0x94: {  	v39 =	vld [tilespmem:s22+$0x7E90];
	[tilespmem:s22+$0x7E20] =	vst v18;
	v18 =	vmul.f32 v34, v32  }
0x95: {  	v40 =	vld [tilespmem:s22+$0x7EA0];
	[tilespmem:s22+$0x7E30] =	vst v19;
	v19 =	vmul.f32 v35, v32  }
0x96: {  	v42 =	vld [tilespmem:s22+$0x7EB0];
	v41 =	vperm.xlane v17, v13;
	[tilespmem:s22+$0x7E40] =	vst v18;
	v18 =	vmul.f32 v36, v32  }
0x97: {  	v43 =	vld [tilespmem:s22+$0x7EC0];
	[tilespmem:s22+$0x7E50] =	vst v19;
	v19 =	vmul.f32 v37, v32  }
0x98: {  	v44 =	vld [tilespmem:s22+$0x7ED0];
	[tilespmem:s22+$0x7E60] =	vst v18;
	v18 =	vmul.f32 v38, v41  }
0x99: {  	v45 =	vld [tilespmem:s22+$0x7EE0];
	[tilespmem:s22+$0x7E70] =	vst v19;
	v19 =	vmul.f32 v39, v41  }
0x9a: {  	v46 =	vld [tilespmem:s22+$0x7EF0];
	[tilespmem:s22+$0x7E80] =	vst v18;
	v18 =	vmul.f32 v40, v41  }
0x9b: {  	v47 =	vld [tilespmem:s22+$0x7F00];
	[tilespmem:s22+$0x7E90] =	vst v19;
	v19 =	vmul.f32 v42, v41  }
0x9c: {  	v48 =	vld [tilespmem:s22+$0x7F10];
	[tilespmem:s22+$0x7EA0] =	vst v18;
	v18 =	vmul.f32 v43, v41  }
0x9d: {  	v49 =	vld [tilespmem:s22+$0x7F20];
	[tilespmem:s22+$0x7EB0] =	vst v19;
	v19 =	vmul.f32 v44, v41  }
0x9e: {  	v51 =	vld [tilespmem:s22+$0x7F30];
	v50 =	vperm.xlane v17, v14;
	[tilespmem:s22+$0x7EC0] =	vst v18;
	v18 =	vmul.f32 v45, v41  }
0x9f: {  	v52 =	vld [tilespmem:s22+$0x7F40];
	[tilespmem:s22+$0x7ED0] =	vst v19;
	v19 =	vmul.f32 v46, v41  }
0xa0: {  	v53 =	vld [tilespmem:s22+$0x7F50];
	[tilespmem:s22+$0x7EE0] =	vst v18;
	v18 =	vmul.f32 v47, v50  }
0xa1: {  	v54 =	vld [tilespmem:s22+$0x7F60];
	[tilespmem:s22+$0x7EF0] =	vst v19;
	v19 =	vmul.f32 v48, v50  }
0xa2: {  	v55 =	vld [tilespmem:s22+$0x7F70];
	[tilespmem:s22+$0x7F00] =	vst v18;
	v18 =	vmul.f32 v49, v50  }
0xa3: {  	v56 =	vld [tilespmem:s22+$0x7F80];
	[tilespmem:s22+$0x7F10] =	vst v19;
	v19 =	vmul.f32 v51, v50  }
0xa4: {  	v57 =	vld [tilespmem:s22+$0x7F90];
	[tilespmem:s22+$0x7F20] =	vst v18;
	v18 =	vmul.f32 v52, v50  }
0xa5: {  	v58 =	vld [tilespmem:s22+$0x7FA0];
	[tilespmem:s22+$0x7F30] =	vst v19;
	v19 =	vmul.f32 v53, v50  }
0xa6: {  	v17 =	vperm.xlane v17, v15;
	v59 =	vld [tilespmem:s22+$0x7FB0];
	[tilespmem:s22+$0x7F40] =	vst v18;
	v18 =	vmul.f32 v54, v50  }
0xa7: {  	v60 =	vld [tilespmem:s22+$0x7FC0];
	[tilespmem:s22+$0x7F50] =	vst v19;
	v19 =	vmul.f32 v55, v50  }
0xa8: {  	v61 =	vld [tilespmem:s22+$0x7FD0];
	[tilespmem:s22+$0x7F60] =	vst v18;
	v18 =	vmul.f32 v56, v17  }
0xa9: {  	v62 =	vld [tilespmem:s22+$0x7FE0];
	[tilespmem:s22+$0x7F70] =	vst v19;
	v19 =	vmul.f32 v57, v17  }
0xaa: {  	v63 =	vld [tilespmem:s22+$0x7FF0];
	[tilespmem:s22+$0x7F80] =	vst v18;
	v18 =	vmul.f32 v58, v17  }
0xab: {  	[tilespmem:s22+$0x7F90] =	vst v19;
	v19 =	vmul.f32 v59, v17  }
0xac: {  	p0 =	sne.s32 s21, $0x7;
	[tilespmem:s22+$0x7FA0] =	vst v18;
	v18 =	vmul.f32 v60, v17  }
.Ltmp0:
0xad: {  	[tilespmem:s22+$0x7FB0] =	vst v19;
	v19 =	vmul.f32 v61, v17;
	(pc) =	sbr.rel @p0 .LBB2_3-.Ltmp0, $4  }
0xae: {  	[tilespmem:s22+$0x7FC0] =	vst v18;
	v18 =	vmul.f32 v62, v17  }
0xaf: {  	[tilespmem:s22+$0x7FD0] =	vst v19;
	v17 =	vmul.f32 v63, v17  }
0xb0: {  	[tilespmem:s22+$0x7FE0] =	vst v18  }
0xb1: {  	s21 =	sadd.s32 $0x1, s21;
	[tilespmem:s22+$0x7FF0] =	vst v17  }
0xb2: {  	s19 =	sadd.s32 $0x1, s19  }
0xb3: {  	p0 =	sne.s32 s19, $0x50  }
.Ltmp1:
0xb4: {  	s20 =	sadd.s32 $0x2800, s20;
	(pc) =	sbr.rel @p0 .LBB2_2-.Ltmp1, $4  }
0xb5: {  	[spmem:s3] =	stream.indirect.scatter.add.f32 [tilespmem:s16], [sflag:$0x1], $0x80, s20, s15, $0xb8;
	[tilespmem:$0x1F800] =	vst v63  }
0xb6: {  	_ =	swait.ge [sflag:s10], $0x4000  }
0xb7: {  	[sflag:s10] =	ssyncset.done $0x0  }
0xb8: {  	[sflag:s10] =	ssyncadd.s32 $0xFFFFC000  }
0xb9: {  	s18 =	sadd.s32 $0x1, s18  }
0xba: {  	p0 =	sne.s32 s18, s9  }
.Ltmp2:
0xbb: {  	[bflag:$0x0] =	sbarrier.arrive $0xFFFF;
	(pc) =	sbr.rel @p0 .LBB2_1-.Ltmp2, $4  }
0xbc: {  	[hbm:s17], [sflag:s13] =	dma.local [spmem:s14], $0x2800  }
0xbd: {  	_ =	swait.ge [sflag:s10], $0x2800  }
0xbe: {  	[sflag:s10] =	ssyncset.done $0x0  }
0xbf: {  	[sflag:s10] =	ssyncadd.s32 $0xFFFFD800  }
0xc0: {  	_ =	sfence.sel $0x180000  }
0xc1: {  	[bflag:$0x0] =	sbarrier.arrive $0xFFFF  }
0xc2: {  	p0 =	sne.s32 s2, $0x0;
	_ =	strace $0x90000047  }
0xc3: {  	s0 =	sadd.s32 @!p0 $0x100000, s1;
	[bflag:$0x2] =	sbarrier.arrive $0xFFFF  }
0xc4: {  	[sflag:s0] =	ssyncadd.tile.s32 @!p0 $0x1;
	_ =	shalt  }
.Lfunc_end2:
_tile_overlayer_lowered:
.L_overlay_start_2:
0xc5: {  	(tag) =	ssettag $0x2  }
0xc6: {  	s0 =	rddreg [dreg:$0x0];
	s2 =	stileid.u32  }
0xc7: {  	s1 =	rddreg [dreg:$0x1];
	p0 =	sne.s32 s2, $0x0  }
0xc8: {  	s3 =	rddreg [dreg:$0x2];
	[bflag:$0x3] =	sbarrier.arrive $0xFFFF;
	s2 =	simm.s32 @!p0 $0x1C01  }
0xc9: {  	[timem:s3], [sflag:s2] =	dma.local @!p0 [hbm:s0], s1  }
0xca: {  	s0 =	simm.s32 @!p0 $0x1  }
0xcb: {  	_ =	swait.ge @!p0 [sflag:s0], s1  }
0xcc: {  	s1 =	ssub.s32 @!p0 $0x0, s1;
	[sflag:s0] =	ssyncset.done @!p0 $0x0  }
0xcd: {  	[sflag:s0] =	ssyncadd.s32 @!p0 s1  }
0xce: {  	[bflag:$0x3] =	sbarrier.arrive $0xFFFF  }
0xcf: {  	_ =	shalt  }

</sc_bundles>
